<compile_context>
chip_gen: v7x
topology: tpu7x:2x2x1
jax: 0.10.2.dev20260603
libtpu: 0.0.44.dev20260713+nightly
codegen_flags: <defaults>
</compile_context>

<pallas_src>
import functools

import jax
import jax.numpy as jnp
from jax import lax
from jax.experimental import pallas as pl
from jax.experimental.pallas import tpu as pltpu
from jax.experimental.pallas import tpu_sc as plsc

NC, NS = 2, 16
NW = NC * NS
B = 16384
D = 64
CHUNK = 128
IDX_ROWS = B // CHUNK

BLK = 2048


@functools.cache
def _make_sc_gather(nstream):
    mesh = plsc.VectorSubcoreMesh(
        core_axis_name="c", subcore_axis_name="s", num_cores=NC, num_subcores=NS
    )
    rows_per_w = B // NW
    nchunk = rows_per_w // CHUNK

    @functools.partial(
        pl.kernel,
        mesh=mesh,
        out_type=tuple(
            jax.ShapeDtypeStruct((B, D), jnp.float32) for _ in range(nstream)
        ),
        scratch_types=(
            pltpu.VMEM((nchunk, CHUNK), jnp.int32),
            pltpu.VMEM((rows_per_w, D), jnp.float32),
            pltpu.SemaphoreType.DMA,
        ),
        compiler_params=pltpu.CompilerParams(use_tc_tiling_on_sc=True),
    )
    def _sc_gather(tab, *args):
        idxs = args[:nstream]
        outs = args[nstream:2 * nstream]
        idx_v, rows_v, sem = args[2 * nstream:]
        wid = lax.axis_index("s") * NC + lax.axis_index("c")
        row0 = wid * nchunk
        for s in range(nstream):
            pltpu.sync_copy(idxs[s].at[pl.ds(row0, nchunk)], idx_v)

            def issue(g, _):
                c = g // (CHUNK // 16)
                off = (g - c * (CHUNK // 16)) * 16
                vec = idx_v[c, pl.ds(off, 16)]
                for k in range(16):
                    i = vec[k]
                    pltpu.async_copy(tab.at[pl.ds(i, 1)],
                                     rows_v.at[pl.ds(g * 16 + k, 1)], sem)
                return _

            lax.fori_loop(0, rows_per_w // 16, issue, 0)
            pltpu.make_async_copy(tab.at[pl.ds(0, rows_per_w)], rows_v,
                                  sem).wait()
            pltpu.sync_copy(rows_v, outs[s].at[pl.ds(row0 * CHUNK, rows_per_w)])

    return _sc_gather


def _tc_body(u_ref, p_ref, n_ref, w0_ref, b0_ref, w1_ref, b1_ref,
             w2_ref, b2_ref, o_ref):
    u = u_ref[...]
    p = p_ref[...]
    n = n_ref[...]
    acc = jnp.sum(u * (p - n), axis=1, keepdims=True)
    x = jnp.concatenate([u, p, n], axis=0).astype(jnp.bfloat16)
    for w_ref, b_ref in ((w0_ref, b0_ref), (w1_ref, b1_ref), (w2_ref, b2_ref)):
        w = w_ref[...].astype(jnp.bfloat16)
        b = b_ref[...]
        y = jnp.dot(x, w, preferred_element_type=jnp.float32) + b
        yf = jnp.maximum(y, 0.3 * y)
        x = yf.astype(jnp.bfloat16)
        uf = yf[:BLK]
        pf = yf[BLK:2 * BLK]
        nf = yf[2 * BLK:]
        acc = acc + jnp.sum(uf * (pf - nf), axis=1, keepdims=True)
    o_ref[...] = acc.reshape(BLK // CHUNK, CHUNK)


_tc_score = pl.pallas_call(
    _tc_body,
    grid=(B // BLK,),
    in_specs=[
        pl.BlockSpec((BLK, D), lambda i: (i, 0)),
        pl.BlockSpec((BLK, D), lambda i: (i, 0)),
        pl.BlockSpec((BLK, D), lambda i: (i, 0)),
        pl.BlockSpec((D, D), lambda i: (0, 0)),
        pl.BlockSpec((1, D), lambda i: (0, 0)),
        pl.BlockSpec((D, D), lambda i: (0, 0)),
        pl.BlockSpec((1, D), lambda i: (0, 0)),
        pl.BlockSpec((D, D), lambda i: (0, 0)),
        pl.BlockSpec((1, D), lambda i: (0, 0)),
    ],
    out_specs=pl.BlockSpec((BLK // CHUNK, CHUNK), lambda i: (i, 0)),
    out_shape=jax.ShapeDtypeStruct((B // CHUNK, CHUNK), jnp.float32),
)


def kernel(user_indices, pos_item_indices, neg_item_indices, user_table,
           item_table, W1_0, b1_0, W1_1, b1_1, W1_2, b1_2):
    ui = user_indices.astype(jnp.int32).reshape(IDX_ROWS, CHUNK)
    pi = pos_item_indices.astype(jnp.int32).reshape(IDX_ROWS, CHUNK)
    ni = neg_item_indices.astype(jnp.int32).reshape(IDX_ROWS, CHUNK)
    (u,) = _make_sc_gather(1)(user_table, ui)
    p, n = _make_sc_gather(2)(item_table, pi, ni)
    out = _tc_score(u, p, n,
                    W1_0, b1_0.reshape(1, D),
                    W1_1, b1_1.reshape(1, D),
                    W1_2, b1_2.reshape(1, D))
    return out.reshape(B, 1)

# --- scband reference (transcript-rebuilt; emitter-appended) ---
"""Pipeline reference for scband-ngcfmodel-13340168421677 (READ-ONLY COPY).

The authoritative reference and input builder live on the scoring server;
editing this copy changes nothing except your own understanding.
"""

import jax, jax.numpy as jnp
import numpy as np

NUM_USERS = 100000
NUM_ITEMS = 100000
DIM = 64
LAYER_DIMS = [64, 64, 64]
BATCH = 16384


def _leaky_relu(x):
    # keras LeakyReLU default alpha = 0.3
    return jnp.where(x >= 0, x, 0.3 * x)


def setup_inputs(seed: int = 0) -> dict:
    key = jax.random.key(seed)
    ks = jax.random.split(key, 16)
    inp = {}
    inp["user_indices"] = jax.random.randint(ks[0], (BATCH,), 0, NUM_USERS)
    inp["pos_item_indices"] = jax.random.randint(ks[1], (BATCH,), 0, NUM_ITEMS)
    inp["neg_item_indices"] = jax.random.randint(ks[2], (BATCH,), 0, NUM_ITEMS)
    inp["user_table"] = jax.random.normal(ks[3], (NUM_USERS, DIM), dtype=jnp.float32) * 0.1
    inp["item_table"] = jax.random.normal(ks[4], (NUM_ITEMS, DIM), dtype=jnp.float32) * 0.1
    in_dim = DIM
    for li, out_dim in enumerate(LAYER_DIMS):
        inp[f"W1_{li}"] = jax.random.normal(ks[5 + li], (in_dim, out_dim), dtype=jnp.float32) * (1.0 / np.sqrt(in_dim))
        inp[f"b1_{li}"] = jnp.zeros((out_dim,), dtype=jnp.float32)
        in_dim = out_dim
    return inp


def reference(user_indices, pos_item_indices, neg_item_indices, user_table, item_table,
              W1_0, b1_0, W1_1, b1_1, W1_2, b1_2):
    layer_params = [(W1_0, b1_0), (W1_1, b1_1), (W1_2, b1_2)]
    all_user = [user_table]
    all_item = [item_table]
    cu, ci = user_table, item_table
    for W, b in layer_params:
        # NGCFLayer.call: only W1 path is used (next = LeakyReLU(W1 * E))
        cu = _leaky_relu(jnp.dot(cu, W) + b)
        ci = _leaky_relu(jnp.dot(ci, W) + b)
        all_user.append(cu)
        all_item.append(ci)
    final_user = jnp.concatenate(all_user, axis=-1)
    final_item = jnp.concatenate(all_item, axis=-1)
    ue = jnp.take(final_user, user_indices, axis=0)
    pe = jnp.take(final_item, pos_item_indices, axis=0)
    ne = jnp.take(final_item, neg_item_indices, axis=0)
    pos_scores = jnp.sum(ue * pe, axis=1, keepdims=True)
    neg_scores = jnp.sum(ue * ne, axis=1, keepdims=True)
    return pos_scores - neg_scores

if __name__ == "__main__":
    import jax
    _d = setup_inputs()
    print(jax.jit(kernel)(*tuple(_d.values())))

</pallas_src>

<mosaic_0001>
#map = affine_map<(d0, d1) -> (0, 0)>
module attributes {stable_mosaic.version = 14 : i64} {
  func.func @_sc_gather(%arg0: i32, %arg1: i32, %arg2: memref<100000x64xf32, #tpu.memory_space<hbm>>, %arg3: memref<128x128xi32, #tpu.memory_space<hbm>>, %arg4: memref<16384x64xf32, #tpu.memory_space<hbm>>, %arg5: memref<4x128xi32, #tpu.memory_space<vmem>>, %arg6: memref<512x64xf32, #tpu.memory_space<vmem>>, %arg7: memref<!tpu.dma_semaphore, #tpu.memory_space<semaphore_mem>>) attributes {dimension_semantics = [#tpu.dimension_semantics<core_parallel>, #tpu.dimension_semantics<subcore_parallel>], iteration_bounds = array<i64: 2, 16>, scalar_prefetch = 0 : i64, scratch_operands = 3 : i64, tpu.core_type = #tpu.core_type<sc_vector_subcore>, window_params = [{transform_indices = #map}, {transform_indices = #map}, {transform_indices = #map}]} {
    %mul3A = arith.constant 2 : i32
    %mul3A_0 = arith.muli %arg1, %mul3A : i32
    %add3A = arith.addi %mul3A_0, %arg0 : i32
    %mul3A_1 = arith.constant 4 : i32
    %mul3A_2 = arith.muli %add3A, %mul3A_1 : i32
    "tpu.region"() ({
      %run_scoped3A = tpu.sem_alloc : memref<!tpu.dma_semaphore, #tpu.memory_space<semaphore_mem>>
      %dma_start3A = arith.constant 0 : i32
      %dma_start3A_15 = tpu.memref_slice %arg3[%mul3A_2, %dma_start3A] : memref<128x128xi32, #tpu.memory_space<hbm>> -> memref<4x128xi32, #tpu.memory_space<hbm>>
      %dma_start3A_16 = arith.constant 0 : i32
      %dma_start3A_17 = tpu.memref_slice %arg3[%mul3A_2, %dma_start3A_16] : memref<128x128xi32, #tpu.memory_space<hbm>> -> memref<4x128xi32, #tpu.memory_space<hbm>>
      tpu.enqueue_dma source(%dma_start3A_17 : memref<4x128xi32, #tpu.memory_space<hbm>>) target(%arg5 : memref<4x128xi32, #tpu.memory_space<vmem>>) target_semaphore(%run_scoped3A : memref<!tpu.dma_semaphore, #tpu.memory_space<semaphore_mem>>)
      %dma_wait3A_18 = arith.constant 0 : i32
      %dma_wait3A_19 = tpu.memref_slice %arg3[%mul3A_2, %dma_wait3A_18] : memref<128x128xi32, #tpu.memory_space<hbm>> -> memref<4x128xi32, #tpu.memory_space<hbm>>
      %dma_wait3A_20 = arith.constant 0 : i32
      %dma_wait3A_21 = tpu.memref_slice %arg3[%mul3A_2, %dma_wait3A_20] : memref<128x128xi32, #tpu.memory_space<hbm>> -> memref<4x128xi32, #tpu.memory_space<hbm>>
      tpu.wait_dma2 semaphore(%run_scoped3A : memref<!tpu.dma_semaphore, #tpu.memory_space<semaphore_mem>>) src(%dma_wait3A_21 : memref<4x128xi32, #tpu.memory_space<hbm>>) dst(%arg5 : memref<4x128xi32, #tpu.memory_space<vmem>>)
      tpu.yield
    }) : () -> ()
    %scan3A = arith.constant 0 : i32
    %scan3A_3 = arith.constant 0 : i32
    %scan3A_4 = arith.constant 32 : i32
    %scan3A_5 = arith.addi %scan3A_3, %scan3A_4 : i32
    %scan3A_6 = arith.constant 1 : i32
    scf.for %scan3A_15 = %scan3A_3 to %scan3A_5 step %scan3A_6  : i32 {
      %jit3A = arith.constant 8 : i32
      %div3A = arith.divsi %scan3A_15, %jit3A : i32
      %sign3A = arith.constant 0 : i32
      %sign3A_16 = arith.cmpi sgt, %scan3A_15, %sign3A : i32
      %sign3A_17 = arith.extui %sign3A_16 : i1 to i32
      %sign3A_18 = arith.constant 0 : i32
      %sign3A_19 = arith.cmpi slt, %scan3A_15, %sign3A_18 : i32
      %sign3A_20 = arith.extui %sign3A_19 : i1 to i32
      %sign3A_21 = arith.subi %sign3A_17, %sign3A_20 : i32
      %sign3A_22 = arith.constant 0 : i32
      %sign3A_23 = arith.cmpi sgt, %jit3A, %sign3A_22 : i32
      %sign3A_24 = arith.extui %sign3A_23 : i1 to i32
      %sign3A_25 = arith.constant 0 : i32
      %sign3A_26 = arith.cmpi slt, %jit3A, %sign3A_25 : i32
      %sign3A_27 = arith.extui %sign3A_26 : i1 to i32
      %sign3A_28 = arith.subi %sign3A_24, %sign3A_27 : i32
      %ne3A = arith.cmpi ne, %sign3A_21, %sign3A_28 : i32
      %rem3A = arith.remsi %scan3A_15, %jit3A : i32
      %ne3A_29 = arith.constant 0 : i32
      %ne3A_30 = arith.cmpi ne, %rem3A, %ne3A_29 : i32
      %and3A = arith.andi %ne3A, %ne3A_30 : i1
      %sub3A = arith.constant 1 : i32
      %sub3A_31 = arith.subi %div3A, %sub3A : i32
      %select_n3A = arith.select %and3A, %sub3A_31, %div3A : i32
      %mul3A_32 = arith.constant 8 : i32
      %mul3A_33 = arith.muli %select_n3A, %mul3A_32 : i32
      %sub3A_34 = arith.subi %scan3A_15, %mul3A_33 : i32
      %mul3A_35 = arith.constant 16 : i32
      %mul3A_36 = arith.muli %sub3A_34, %mul3A_35 : i32
      %get3A = arith.index_cast %select_n3A : i32 to index
      %get3A_37 = arith.index_cast %mul3A_36 : i32 to index
      %get3A_38 = tpu.vector_load %arg5[%get3A, %get3A_37] {strides = array<i32>} : memref<4x128xi32, #tpu.memory_space<vmem>>, vector<1x16xi32>,
      %get3A_39 = vector.shape_cast %get3A_38 : vector<1x16xi32> to vector<16xi32>
      %slice3A = vector.extract_strided_slice %get3A_39 {offsets = [0], sizes = [1], strides = [1]} : vector<16xi32> to vector<1xi32>
      %squeeze3A = vector.extract %slice3A[0] : i32 from vector<1xi32>
      %mul3A_40 = arith.constant 16 : i32
      %mul3A_41 = arith.muli %scan3A_15, %mul3A_40 : i32
      %add3A_42 = arith.constant 0 : i32
      %add3A_43 = arith.addi %mul3A_41, %add3A_42 : i32
      %dma_start3A = arith.constant 0 : i32
      %dma_start3A_44 = tpu.memref_slice %arg6[%add3A_43, %dma_start3A] : memref<512x64xf32, #tpu.memory_space<vmem>> -> memref<1x64xf32, #tpu.memory_space<vmem>>
      %dma_start3A_45 = arith.constant 0 : i32
      %dma_start3A_46 = tpu.memref_slice %arg2[%squeeze3A, %dma_start3A_45] : memref<100000x64xf32, #tpu.memory_space<hbm>> -> memref<1x64xf32, #tpu.memory_space<hbm>>
      %dma_start3A_47 = arith.constant 0 : i32
      %dma_start3A_48 = tpu.memref_slice %arg6[%add3A_43, %dma_start3A_47] : memref<512x64xf32, #tpu.memory_space<vmem>> -> memref<1x64xf32, #tpu.memory_space<vmem>>
      %dma_start3A_49 = arith.constant 0 : i32
      %dma_start3A_50 = tpu.memref_slice %arg2[%squeeze3A, %dma_start3A_49] : memref<100000x64xf32, #tpu.memory_space<hbm>> -> memref<1x64xf32, #tpu.memory_space<hbm>>
      tpu.enqueue_dma source(%dma_start3A_50 : memref<1x64xf32, #tpu.memory_space<hbm>>) target(%dma_start3A_48 : memref<1x64xf32, #tpu.memory_space<vmem>>) target_semaphore(%arg7 : memref<!tpu.dma_semaphore, #tpu.memory_space<semaphore_mem>>)
      %slice3A_51 = vector.extract_strided_slice %get3A_39 {offsets = [1], sizes = [1], strides = [1]} : vector<16xi32> to vector<1xi32>
      %squeeze3A_52 = vector.extract %slice3A_51[0] : i32 from vector<1xi32>
      %mul3A_53 = arith.constant 16 : i32
      %mul3A_54 = arith.muli %scan3A_15, %mul3A_53 : i32
      %add3A_55 = arith.constant 1 : i32
      %add3A_56 = arith.addi %mul3A_54, %add3A_55 : i32
      %dma_start3A_57 = arith.constant 0 : i32
      %dma_start3A_58 = tpu.memref_slice %arg6[%add3A_56, %dma_start3A_57] : memref<512x64xf32, #tpu.memory_space<vmem>> -> memref<1x64xf32, #tpu.memory_space<vmem>>
      %dma_start3A_59 = arith.constant 0 : i32
      %dma_start3A_60 = tpu.memref_slice %arg2[%squeeze3A_52, %dma_start3A_59] : memref<100000x64xf32, #tpu.memory_space<hbm>> -> memref<1x64xf32, #tpu.memory_space<hbm>>
      %dma_start3A_61 = arith.constant 0 : i32
      %dma_start3A_62 = tpu.memref_slice %arg6[%add3A_56, %dma_start3A_61] : memref<512x64xf32, #tpu.memory_space<vmem>> -> memref<1x64xf32, #tpu.memory_space<vmem>>
      %dma_start3A_63 = arith.constant 0 : i32
      %dma_start3A_64 = tpu.memref_slice %arg2[%squeeze3A_52, %dma_start3A_63] : memref<100000x64xf32, #tpu.memory_space<hbm>> -> memref<1x64xf32, #tpu.memory_space<hbm>>
      tpu.enqueue_dma source(%dma_start3A_64 : memref<1x64xf32, #tpu.memory_space<hbm>>) target(%dma_start3A_62 : memref<1x64xf32, #tpu.memory_space<vmem>>) target_semaphore(%arg7 : memref<!tpu.dma_semaphore, #tpu.memory_space<semaphore_mem>>)
      %slice3A_65 = vector.extract_strided_slice %get3A_39 {offsets = [2], sizes = [1], strides = [1]} : vector<16xi32> to vector<1xi32>
      %squeeze3A_66 = vector.extract %slice3A_65[0] : i32 from vector<1xi32>
      %mul3A_67 = arith.constant 16 : i32
      %mul3A_68 = arith.muli %scan3A_15, %mul3A_67 : i32
      %add3A_69 = arith.constant 2 : i32
      %add3A_70 = arith.addi %mul3A_68, %add3A_69 : i32
      %dma_start3A_71 = arith.constant 0 : i32
      %dma_start3A_72 = tpu.memref_slice %arg6[%add3A_70, %dma_start3A_71] : memref<512x64xf32, #tpu.memory_space<vmem>> -> memref<1x64xf32, #tpu.memory_space<vmem>>
      %dma_start3A_73 = arith.constant 0 : i32
      %dma_start3A_74 = tpu.memref_slice %arg2[%squeeze3A_66, %dma_start3A_73] : memref<100000x64xf32, #tpu.memory_space<hbm>> -> memref<1x64xf32, #tpu.memory_space<hbm>>
      %dma_start3A_75 = arith.constant 0 : i32
      %dma_start3A_76 = tpu.memref_slice %arg6[%add3A_70, %dma_start3A_75] : memref<512x64xf32, #tpu.memory_space<vmem>> -> memref<1x64xf32, #tpu.memory_space<vmem>>
      %dma_start3A_77 = arith.constant 0 : i32
      %dma_start3A_78 = tpu.memref_slice %arg2[%squeeze3A_66, %dma_start3A_77] : memref<100000x64xf32, #tpu.memory_space<hbm>> -> memref<1x64xf32, #tpu.memory_space<hbm>>
      tpu.enqueue_dma source(%dma_start3A_78 : memref<1x64xf32, #tpu.memory_space<hbm>>) target(%dma_start3A_76 : memref<1x64xf32, #tpu.memory_space<vmem>>) target_semaphore(%arg7 : memref<!tpu.dma_semaphore, #tpu.memory_space<semaphore_mem>>)
      %slice3A_79 = vector.extract_strided_slice %get3A_39 {offsets = [3], sizes = [1], strides = [1]} : vector<16xi32> to vector<1xi32>
      %squeeze3A_80 = vector.extract %slice3A_79[0] : i32 from vector<1xi32>
      %mul3A_81 = arith.constant 16 : i32
      %mul3A_82 = arith.muli %scan3A_15, %mul3A_81 : i32
      %add3A_83 = arith.constant 3 : i32
      %add3A_84 = arith.addi %mul3A_82, %add3A_83 : i32
      %dma_start3A_85 = arith.constant 0 : i32
      %dma_start3A_86 = tpu.memref_slice %arg6[%add3A_84, %dma_start3A_85] : memref<512x64xf32, #tpu.memory_space<vmem>> -> memref<1x64xf32, #tpu.memory_space<vmem>>
      %dma_start3A_87 = arith.constant 0 : i32
      %dma_start3A_88 = tpu.memref_slice %arg2[%squeeze3A_80, %dma_start3A_87] : memref<100000x64xf32, #tpu.memory_space<hbm>> -> memref<1x64xf32, #tpu.memory_space<hbm>>
      %dma_start3A_89 = arith.constant 0 : i32
      %dma_start3A_90 = tpu.memref_slice %arg6[%add3A_84, %dma_start3A_89] : memref<512x64xf32, #tpu.memory_space<vmem>> -> memref<1x64xf32, #tpu.memory_space<vmem>>
      %dma_start3A_91 = arith.constant 0 : i32
      %dma_start3A_92 = tpu.memref_slice %arg2[%squeeze3A_80, %dma_start3A_91] : memref<100000x64xf32, #tpu.memory_space<hbm>> -> memref<1x64xf32, #tpu.memory_space<hbm>>
      tpu.enqueue_dma source(%dma_start3A_92 : memref<1x64xf32, #tpu.memory_space<hbm>>) target(%dma_start3A_90 : memref<1x64xf32, #tpu.memory_space<vmem>>) target_semaphore(%arg7 : memref<!tpu.dma_semaphore, #tpu.memory_space<semaphore_mem>>)
      %slice3A_93 = vector.extract_strided_slice %get3A_39 {offsets = [4], sizes = [1], strides = [1]} : vector<16xi32> to vector<1xi32>
      %squeeze3A_94 = vector.extract %slice3A_93[0] : i32 from vector<1xi32>
      %mul3A_95 = arith.constant 16 : i32
      %mul3A_96 = arith.muli %scan3A_15, %mul3A_95 : i32
      %add3A_97 = arith.constant 4 : i32
      %add3A_98 = arith.addi %mul3A_96, %add3A_97 : i32
      %dma_start3A_99 = arith.constant 0 : i32
      %dma_start3A_100 = tpu.memref_slice %arg6[%add3A_98, %dma_start3A_99] : memref<512x64xf32, #tpu.memory_space<vmem>> -> memref<1x64xf32, #tpu.memory_space<vmem>>
      %dma_start3A_101 = arith.constant 0 : i32
      %dma_start3A_102 = tpu.memref_slice %arg2[%squeeze3A_94, %dma_start3A_101] : memref<100000x64xf32, #tpu.memory_space<hbm>> -> memref<1x64xf32, #tpu.memory_space<hbm>>
      %dma_start3A_103 = arith.constant 0 : i32
      %dma_start3A_104 = tpu.memref_slice %arg6[%add3A_98, %dma_start3A_103] : memref<512x64xf32, #tpu.memory_space<vmem>> -> memref<1x64xf32, #tpu.memory_space<vmem>>
      %dma_start3A_105 = arith.constant 0 : i32
      %dma_start3A_106 = tpu.memref_slice %arg2[%squeeze3A_94, %dma_start3A_105] : memref<100000x64xf32, #tpu.memory_space<hbm>> -> memref<1x64xf32, #tpu.memory_space<hbm>>
      tpu.enqueue_dma source(%dma_start3A_106 : memref<1x64xf32, #tpu.memory_space<hbm>>) target(%dma_start3A_104 : memref<1x64xf32, #tpu.memory_space<vmem>>) target_semaphore(%arg7 : memref<!tpu.dma_semaphore, #tpu.memory_space<semaphore_mem>>)
      %slice3A_107 = vector.extract_strided_slice %get3A_39 {offsets = [5], sizes = [1], strides = [1]} : vector<16xi32> to vector<1xi32>
      %squeeze3A_108 = vector.extract %slice3A_107[0] : i32 from vector<1xi32>
      %mul3A_109 = arith.constant 16 : i32
      %mul3A_110 = arith.muli %scan3A_15, %mul3A_109 : i32
      %add3A_111 = arith.constant 5 : i32
      %add3A_112 = arith.addi %mul3A_110, %add3A_111 : i32
      %dma_start3A_113 = arith.constant 0 : i32
      %dma_start3A_114 = tpu.memref_slice %arg6[%add3A_112, %dma_start3A_113] : memref<512x64xf32, #tpu.memory_space<vmem>> -> memref<1x64xf32, #tpu.memory_space<vmem>>
      %dma_start3A_115 = arith.constant 0 : i32
      %dma_start3A_116 = tpu.memref_slice %arg2[%squeeze3A_108, %dma_start3A_115] : memref<100000x64xf32, #tpu.memory_space<hbm>> -> memref<1x64xf32, #tpu.memory_space<hbm>>
      %dma_start3A_117 = arith.constant 0 : i32
      %dma_start3A_118 = tpu.memref_slice %arg6[%add3A_112, %dma_start3A_117] : memref<512x64xf32, #tpu.memory_space<vmem>> -> memref<1x64xf32, #tpu.memory_space<vmem>>
      %dma_start3A_119 = arith.constant 0 : i32
      %dma_start3A_120 = tpu.memref_slice %arg2[%squeeze3A_108, %dma_start3A_119] : memref<100000x64xf32, #tpu.memory_space<hbm>> -> memref<1x64xf32, #tpu.memory_space<hbm>>
      tpu.enqueue_dma source(%dma_start3A_120 : memref<1x64xf32, #tpu.memory_space<hbm>>) target(%dma_start3A_118 : memref<1x64xf32, #tpu.memory_space<vmem>>) target_semaphore(%arg7 : memref<!tpu.dma_semaphore, #tpu.memory_space<semaphore_mem>>)
      %slice3A_121 = vector.extract_strided_slice %get3A_39 {offsets = [6], sizes = [1], strides = [1]} : vector<16xi32> to vector<1xi32>
      %squeeze3A_122 = vector.extract %slice3A_121[0] : i32 from vector<1xi32>
      %mul3A_123 = arith.constant 16 : i32
      %mul3A_124 = arith.muli %scan3A_15, %mul3A_123 : i32
      %add3A_125 = arith.constant 6 : i32
      %add3A_126 = arith.addi %mul3A_124, %add3A_125 : i32
      %dma_start3A_127 = arith.constant 0 : i32
      %dma_start3A_128 = tpu.memref_slice %arg6[%add3A_126, %dma_start3A_127] : memref<512x64xf32, #tpu.memory_space<vmem>> -> memref<1x64xf32, #tpu.memory_space<vmem>>
      %dma_start3A_129 = arith.constant 0 : i32
      %dma_start3A_130 = tpu.memref_slice %arg2[%squeeze3A_122, %dma_start3A_129] : memref<100000x64xf32, #tpu.memory_space<hbm>> -> memref<1x64xf32, #tpu.memory_space<hbm>>
      %dma_start3A_131 = arith.constant 0 : i32
      %dma_start3A_132 = tpu.memref_slice %arg6[%add3A_126, %dma_start3A_131] : memref<512x64xf32, #tpu.memory_space<vmem>> -> memref<1x64xf32, #tpu.memory_space<vmem>>
      %dma_start3A_133 = arith.constant 0 : i32
      %dma_start3A_134 = tpu.memref_slice %arg2[%squeeze3A_122, %dma_start3A_133] : memref<100000x64xf32, #tpu.memory_space<hbm>> -> memref<1x64xf32, #tpu.memory_space<hbm>>
      tpu.enqueue_dma source(%dma_start3A_134 : memref<1x64xf32, #tpu.memory_space<hbm>>) target(%dma_start3A_132 : memref<1x64xf32, #tpu.memory_space<vmem>>) target_semaphore(%arg7 : memref<!tpu.dma_semaphore, #tpu.memory_space<semaphore_mem>>)
      %slice3A_135 = vector.extract_strided_slice %get3A_39 {offsets = [7], sizes = [1], strides = [1]} : vector<16xi32> to vector<1xi32>
      %squeeze3A_136 = vector.extract %slice3A_135[0] : i32 from vector<1xi32>
      %mul3A_137 = arith.constant 16 : i32
      %mul3A_138 = arith.muli %scan3A_15, %mul3A_137 : i32
      %add3A_139 = arith.constant 7 : i32
      %add3A_140 = arith.addi %mul3A_138, %add3A_139 : i32
      %dma_start3A_141 = arith.constant 0 : i32
      %dma_start3A_142 = tpu.memref_slice %arg6[%add3A_140, %dma_start3A_141] : memref<512x64xf32, #tpu.memory_space<vmem>> -> memref<1x64xf32, #tpu.memory_space<vmem>>
      %dma_start3A_143 = arith.constant 0 : i32
      %dma_start3A_144 = tpu.memref_slice %arg2[%squeeze3A_136, %dma_start3A_143] : memref<100000x64xf32, #tpu.memory_space<hbm>> -> memref<1x64xf32, #tpu.memory_space<hbm>>
      %dma_start3A_145 = arith.constant 0 : i32
      %dma_start3A_146 = tpu.memref_slice %arg6[%add3A_140, %dma_start3A_145] : memref<512x64xf32, #tpu.memory_space<vmem>> -> memref<1x64xf32, #tpu.memory_space<vmem>>
      %dma_start3A_147 = arith.constant 0 : i32
      %dma_start3A_148 = tpu.memref_slice %arg2[%squeeze3A_136, %dma_start3A_147] : memref<100000x64xf32, #tpu.memory_space<hbm>> -> memref<1x64xf32, #tpu.memory_space<hbm>>
      tpu.enqueue_dma source(%dma_start3A_148 : memref<1x64xf32, #tpu.memory_space<hbm>>) target(%dma_start3A_146 : memref<1x64xf32, #tpu.memory_space<vmem>>) target_semaphore(%arg7 : memref<!tpu.dma_semaphore, #tpu.memory_space<semaphore_mem>>)
      %slice3A_149 = vector.extract_strided_slice %get3A_39 {offsets = [8], sizes = [1], strides = [1]} : vector<16xi32> to vector<1xi32>
      %squeeze3A_150 = vector.extract %slice3A_149[0] : i32 from vector<1xi32>
      %mul3A_151 = arith.constant 16 : i32
      %mul3A_152 = arith.muli %scan3A_15, %mul3A_151 : i32
      %add3A_153 = arith.constant 8 : i32
      %add3A_154 = arith.addi %mul3A_152, %add3A_153 : i32
      %dma_start3A_155 = arith.constant 0 : i32
      %dma_start3A_156 = tpu.memref_slice %arg6[%add3A_154, %dma_start3A_155] : memref<512x64xf32, #tpu.memory_space<vmem>> -> memref<1x64xf32, #tpu.memory_space<vmem>>
      %dma_start3A_157 = arith.constant 0 : i32
      %dma_start3A_158 = tpu.memref_slice %arg2[%squeeze3A_150, %dma_start3A_157] : memref<100000x64xf32, #tpu.memory_space<hbm>> -> memref<1x64xf32, #tpu.memory_space<hbm>>
      %dma_start3A_159 = arith.constant 0 : i32
      %dma_start3A_160 = tpu.memref_slice %arg6[%add3A_154, %dma_start3A_159] : memref<512x64xf32, #tpu.memory_space<vmem>> -> memref<1x64xf32, #tpu.memory_space<vmem>>
      %dma_start3A_161 = arith.constant 0 : i32
      %dma_start3A_162 = tpu.memref_slice %arg2[%squeeze3A_150, %dma_start3A_161] : memref<100000x64xf32, #tpu.memory_space<hbm>> -> memref<1x64xf32, #tpu.memory_space<hbm>>
      tpu.enqueue_dma source(%dma_start3A_162 : memref<1x64xf32, #tpu.memory_space<hbm>>) target(%dma_start3A_160 : memref<1x64xf32, #tpu.memory_space<vmem>>) target_semaphore(%arg7 : memref<!tpu.dma_semaphore, #tpu.memory_space<semaphore_mem>>)
      %slice3A_163 = vector.extract_strided_slice %get3A_39 {offsets = [9], sizes = [1], strides = [1]} : vector<16xi32> to vector<1xi32>
      %squeeze3A_164 = vector.extract %slice3A_163[0] : i32 from vector<1xi32>
      %mul3A_165 = arith.constant 16 : i32
      %mul3A_166 = arith.muli %scan3A_15, %mul3A_165 : i32
      %add3A_167 = arith.constant 9 : i32
      %add3A_168 = arith.addi %mul3A_166, %add3A_167 : i32
      %dma_start3A_169 = arith.constant 0 : i32
      %dma_start3A_170 = tpu.memref_slice %arg6[%add3A_168, %dma_start3A_169] : memref<512x64xf32, #tpu.memory_space<vmem>> -> memref<1x64xf32, #tpu.memory_space<vmem>>
      %dma_start3A_171 = arith.constant 0 : i32
      %dma_start3A_172 = tpu.memref_slice %arg2[%squeeze3A_164, %dma_start3A_171] : memref<100000x64xf32, #tpu.memory_space<hbm>> -> memref<1x64xf32, #tpu.memory_space<hbm>>
      %dma_start3A_173 = arith.constant 0 : i32
      %dma_start3A_174 = tpu.memref_slice %arg6[%add3A_168, %dma_start3A_173] : memref<512x64xf32, #tpu.memory_space<vmem>> -> memref<1x64xf32, #tpu.memory_space<vmem>>
      %dma_start3A_175 = arith.constant 0 : i32
      %dma_start3A_176 = tpu.memref_slice %arg2[%squeeze3A_164, %dma_start3A_175] : memref<100000x64xf32, #tpu.memory_space<hbm>> -> memref<1x64xf32, #tpu.memory_space<hbm>>
      tpu.enqueue_dma source(%dma_start3A_176 : memref<1x64xf32, #tpu.memory_space<hbm>>) target(%dma_start3A_174 : memref<1x64xf32, #tpu.memory_space<vmem>>) target_semaphore(%arg7 : memref<!tpu.dma_semaphore, #tpu.memory_space<semaphore_mem>>)
      %slice3A_177 = vector.extract_strided_slice %get3A_39 {offsets = [10], sizes = [1], strides = [1]} : vector<16xi32> to vector<1xi32>
      %squeeze3A_178 = vector.extract %slice3A_177[0] : i32 from vector<1xi32>
      %mul3A_179 = arith.constant 16 : i32
      %mul3A_180 = arith.muli %scan3A_15, %mul3A_179 : i32
      %add3A_181 = arith.constant 10 : i32
      %add3A_182 = arith.addi %mul3A_180, %add3A_181 : i32
      %dma_start3A_183 = arith.constant 0 : i32
      %dma_start3A_184 = tpu.memref_slice %arg6[%add3A_182, %dma_start3A_183] : memref<512x64xf32, #tpu.memory_space<vmem>> -> memref<1x64xf32, #tpu.memory_space<vmem>>
      %dma_start3A_185 = arith.constant 0 : i32
      %dma_start3A_186 = tpu.memref_slice %arg2[%squeeze3A_178, %dma_start3A_185] : memref<100000x64xf32, #tpu.memory_space<hbm>> -> memref<1x64xf32, #tpu.memory_space<hbm>>
      %dma_start3A_187 = arith.constant 0 : i32
      %dma_start3A_188 = tpu.memref_slice %arg6[%add3A_182, %dma_start3A_187] : memref<512x64xf32, #tpu.memory_space<vmem>> -> memref<1x64xf32, #tpu.memory_space<vmem>>
      %dma_start3A_189 = arith.constant 0 : i32
      %dma_start3A_190 = tpu.memref_slice %arg2[%squeeze3A_178, %dma_start3A_189] : memref<100000x64xf32, #tpu.memory_space<hbm>> -> memref<1x64xf32, #tpu.memory_space<hbm>>
      tpu.enqueue_dma source(%dma_start3A_190 : memref<1x64xf32, #tpu.memory_space<hbm>>) target(%dma_start3A_188 : memref<1x64xf32, #tpu.memory_space<vmem>>) target_semaphore(%arg7 : memref<!tpu.dma_semaphore, #tpu.memory_space<semaphore_mem>>)
      %slice3A_191 = vector.extract_strided_slice %get3A_39 {offsets = [11], sizes = [1], strides = [1]} : vector<16xi32> to vector<1xi32>
      %squeeze3A_192 = vector.extract %slice3A_191[0] : i32 from vector<1xi32>
      %mul3A_193 = arith.constant 16 : i32
      %mul3A_194 = arith.muli %scan3A_15, %mul3A_193 : i32
      %add3A_195 = arith.constant 11 : i32
      %add3A_196 = arith.addi %mul3A_194, %add3A_195 : i32
      %dma_start3A_197 = arith.constant 0 : i32
      %dma_start3A_198 = tpu.memref_slice %arg6[%add3A_196, %dma_start3A_197] : memref<512x64xf32, #tpu.memory_space<vmem>> -> memref<1x64xf32, #tpu.memory_space<vmem>>
      %dma_start3A_199 = arith.constant 0 : i32
      %dma_start3A_200 = tpu.memref_slice %arg2[%squeeze3A_192, %dma_start3A_199] : memref<100000x64xf32, #tpu.memory_space<hbm>> -> memref<1x64xf32, #tpu.memory_space<hbm>>
      %dma_start3A_201 = arith.constant 0 : i32
      %dma_start3A_202 = tpu.memref_slice %arg6[%add3A_196, %dma_start3A_201] : memref<512x64xf32, #tpu.memory_space<vmem>> -> memref<1x64xf32, #tpu.memory_space<vmem>>
      %dma_start3A_203 = arith.constant 0 : i32
      %dma_start3A_204 = tpu.memref_slice %arg2[%squeeze3A_192, %dma_start3A_203] : memref<100000x64xf32, #tpu.memory_space<hbm>> -> memref<1x64xf32, #tpu.memory_space<hbm>>
      tpu.enqueue_dma source(%dma_start3A_204 : memref<1x64xf32, #tpu.memory_space<hbm>>) target(%dma_start3A_202 : memref<1x64xf32, #tpu.memory_space<vmem>>) target_semaphore(%arg7 : memref<!tpu.dma_semaphore, #tpu.memory_space<semaphore_mem>>)
      %slice3A_205 = vector.extract_strided_slice %get3A_39 {offsets = [12], sizes = [1], strides = [1]} : vector<16xi32> to vector<1xi32>
      %squeeze3A_206 = vector.extract %slice3A_205[0] : i32 from vector<1xi32>
      %mul3A_207 = arith.constant 16 : i32
      %mul3A_208 = arith.muli %scan3A_15, %mul3A_207 : i32
      %add3A_209 = arith.constant 12 : i32
      %add3A_210 = arith.addi %mul3A_208, %add3A_209 : i32
      %dma_start3A_211 = arith.constant 0 : i32
      %dma_start3A_212 = tpu.memref_slice %arg6[%add3A_210, %dma_start3A_211] : memref<512x64xf32, #tpu.memory_space<vmem>> -> memref<1x64xf32, #tpu.memory_space<vmem>>
      %dma_start3A_213 = arith.constant 0 : i32
      %dma_start3A_214 = tpu.memref_slice %arg2[%squeeze3A_206, %dma_start3A_213] : memref<100000x64xf32, #tpu.memory_space<hbm>> -> memref<1x64xf32, #tpu.memory_space<hbm>>
      %dma_start3A_215 = arith.constant 0 : i32
      %dma_start3A_216 = tpu.memref_slice %arg6[%add3A_210, %dma_start3A_215] : memref<512x64xf32, #tpu.memory_space<vmem>> -> memref<1x64xf32, #tpu.memory_space<vmem>>
      %dma_start3A_217 = arith.constant 0 : i32
      %dma_start3A_218 = tpu.memref_slice %arg2[%squeeze3A_206, %dma_start3A_217] : memref<100000x64xf32, #tpu.memory_space<hbm>> -> memref<1x64xf32, #tpu.memory_space<hbm>>
      tpu.enqueue_dma source(%dma_start3A_218 : memref<1x64xf32, #tpu.memory_space<hbm>>) target(%dma_start3A_216 : memref<1x64xf32, #tpu.memory_space<vmem>>) target_semaphore(%arg7 : memref<!tpu.dma_semaphore, #tpu.memory_space<semaphore_mem>>)
      %slice3A_219 = vector.extract_strided_slice %get3A_39 {offsets = [13], sizes = [1], strides = [1]} : vector<16xi32> to vector<1xi32>
      %squeeze3A_220 = vector.extract %slice3A_219[0] : i32 from vector<1xi32>
      %mul3A_221 = arith.constant 16 : i32
      %mul3A_222 = arith.muli %scan3A_15, %mul3A_221 : i32
      %add3A_223 = arith.constant 13 : i32
      %add3A_224 = arith.addi %mul3A_222, %add3A_223 : i32
      %dma_start3A_225 = arith.constant 0 : i32
      %dma_start3A_226 = tpu.memref_slice %arg6[%add3A_224, %dma_start3A_225] : memref<512x64xf32, #tpu.memory_space<vmem>> -> memref<1x64xf32, #tpu.memory_space<vmem>>
      %dma_start3A_227 = arith.constant 0 : i32
      %dma_start3A_228 = tpu.memref_slice %arg2[%squeeze3A_220, %dma_start3A_227] : memref<100000x64xf32, #tpu.memory_space<hbm>> -> memref<1x64xf32, #tpu.memory_space<hbm>>
      %dma_start3A_229 = arith.constant 0 : i32
      %dma_start3A_230 = tpu.memref_slice %arg6[%add3A_224, %dma_start3A_229] : memref<512x64xf32, #tpu.memory_space<vmem>> -> memref<1x64xf32, #tpu.memory_space<vmem>>
      %dma_start3A_231 = arith.constant 0 : i32
      %dma_start3A_232 = tpu.memref_slice %arg2[%squeeze3A_220, %dma_start3A_231] : memref<100000x64xf32, #tpu.memory_space<hbm>> -> memref<1x64xf32, #tpu.memory_space<hbm>>
      tpu.enqueue_dma source(%dma_start3A_232 : memref<1x64xf32, #tpu.memory_space<hbm>>) target(%dma_start3A_230 : memref<1x64xf32, #tpu.memory_space<vmem>>) target_semaphore(%arg7 : memref<!tpu.dma_semaphore, #tpu.memory_space<semaphore_mem>>)
      %slice3A_233 = vector.extract_strided_slice %get3A_39 {offsets = [14], sizes = [1], strides = [1]} : vector<16xi32> to vector<1xi32>
      %squeeze3A_234 = vector.extract %slice3A_233[0] : i32 from vector<1xi32>
      %mul3A_235 = arith.constant 16 : i32
      %mul3A_236 = arith.muli %scan3A_15, %mul3A_235 : i32
      %add3A_237 = arith.constant 14 : i32
      %add3A_238 = arith.addi %mul3A_236, %add3A_237 : i32
      %dma_start3A_239 = arith.constant 0 : i32
      %dma_start3A_240 = tpu.memref_slice %arg6[%add3A_238, %dma_start3A_239] : memref<512x64xf32, #tpu.memory_space<vmem>> -> memref<1x64xf32, #tpu.memory_space<vmem>>
      %dma_start3A_241 = arith.constant 0 : i32
      %dma_start3A_242 = tpu.memref_slice %arg2[%squeeze3A_234, %dma_start3A_241] : memref<100000x64xf32, #tpu.memory_space<hbm>> -> memref<1x64xf32, #tpu.memory_space<hbm>>
      %dma_start3A_243 = arith.constant 0 : i32
      %dma_start3A_244 = tpu.memref_slice %arg6[%add3A_238, %dma_start3A_243] : memref<512x64xf32, #tpu.memory_space<vmem>> -> memref<1x64xf32, #tpu.memory_space<vmem>>
      %dma_start3A_245 = arith.constant 0 : i32
      %dma_start3A_246 = tpu.memref_slice %arg2[%squeeze3A_234, %dma_start3A_245] : memref<100000x64xf32, #tpu.memory_space<hbm>> -> memref<1x64xf32, #tpu.memory_space<hbm>>
      tpu.enqueue_dma source(%dma_start3A_246 : memref<1x64xf32, #tpu.memory_space<hbm>>) target(%dma_start3A_244 : memref<1x64xf32, #tpu.memory_space<vmem>>) target_semaphore(%arg7 : memref<!tpu.dma_semaphore, #tpu.memory_space<semaphore_mem>>)
      %slice3A_247 = vector.extract_strided_slice %get3A_39 {offsets = [15], sizes = [1], strides = [1]} : vector<16xi32> to vector<1xi32>
      %squeeze3A_248 = vector.extract %slice3A_247[0] : i32 from vector<1xi32>
      %mul3A_249 = arith.constant 16 : i32
      %mul3A_250 = arith.muli %scan3A_15, %mul3A_249 : i32
      %add3A_251 = arith.constant 15 : i32
      %add3A_252 = arith.addi %mul3A_250, %add3A_251 : i32
      %dma_start3A_253 = arith.constant 0 : i32
      %dma_start3A_254 = tpu.memref_slice %arg6[%add3A_252, %dma_start3A_253] : memref<512x64xf32, #tpu.memory_space<vmem>> -> memref<1x64xf32, #tpu.memory_space<vmem>>
      %dma_start3A_255 = arith.constant 0 : i32
      %dma_start3A_256 = tpu.memref_slice %arg2[%squeeze3A_248, %dma_start3A_255] : memref<100000x64xf32, #tpu.memory_space<hbm>> -> memref<1x64xf32, #tpu.memory_space<hbm>>
      %dma_start3A_257 = arith.constant 0 : i32
      %dma_start3A_258 = tpu.memref_slice %arg6[%add3A_252, %dma_start3A_257] : memref<512x64xf32, #tpu.memory_space<vmem>> -> memref<1x64xf32, #tpu.memory_space<vmem>>
      %dma_start3A_259 = arith.constant 0 : i32
      %dma_start3A_260 = tpu.memref_slice %arg2[%squeeze3A_248, %dma_start3A_259] : memref<100000x64xf32, #tpu.memory_space<hbm>> -> memref<1x64xf32, #tpu.memory_space<hbm>>
      tpu.enqueue_dma source(%dma_start3A_260 : memref<1x64xf32, #tpu.memory_space<hbm>>) target(%dma_start3A_258 : memref<1x64xf32, #tpu.memory_space<vmem>>) target_semaphore(%arg7 : memref<!tpu.dma_semaphore, #tpu.memory_space<semaphore_mem>>)
    }
    %scan3A_7 = arith.constant 32 : i32
    %dma_wait3A = arith.constant 0 : i32
    %dma_wait3A_8 = arith.constant 0 : i32
    %dma_wait3A_9 = tpu.memref_slice %arg2[%dma_wait3A, %dma_wait3A_8] : memref<100000x64xf32, #tpu.memory_space<hbm>> -> memref<512x64xf32, #tpu.memory_space<hbm>>
    %dma_wait3A_10 = arith.constant 0 : i32
    %dma_wait3A_11 = arith.constant 0 : i32
    %dma_wait3A_12 = tpu.memref_slice %arg2[%dma_wait3A_10, %dma_wait3A_11] : memref<100000x64xf32, #tpu.memory_space<hbm>> -> memref<512x64xf32, #tpu.memory_space<hbm>>
    tpu.wait_dma2 semaphore(%arg7 : memref<!tpu.dma_semaphore, #tpu.memory_space<semaphore_mem>>) src(%dma_wait3A_12 : memref<512x64xf32, #tpu.memory_space<hbm>>) dst(%arg6 : memref<512x64xf32, #tpu.memory_space<vmem>>)
    %mul3A_13 = arith.constant 128 : i32
    %mul3A_14 = arith.muli %mul3A_2, %mul3A_13 : i32
    "tpu.region"() ({
      %run_scoped3A = tpu.sem_alloc : memref<!tpu.dma_semaphore, #tpu.memory_space<semaphore_mem>>
      %dma_start3A = arith.constant 0 : i32
      %dma_start3A_15 = tpu.memref_slice %arg4[%mul3A_14, %dma_start3A] : memref<16384x64xf32, #tpu.memory_space<hbm>> -> memref<512x64xf32, #tpu.memory_space<hbm>>
      %dma_start3A_16 = arith.constant 0 : i32
      %dma_start3A_17 = tpu.memref_slice %arg4[%mul3A_14, %dma_start3A_16] : memref<16384x64xf32, #tpu.memory_space<hbm>> -> memref<512x64xf32, #tpu.memory_space<hbm>>
      tpu.enqueue_dma source(%arg6 : memref<512x64xf32, #tpu.memory_space<vmem>>) target(%dma_start3A_17 : memref<512x64xf32, #tpu.memory_space<hbm>>) target_semaphore(%run_scoped3A : memref<!tpu.dma_semaphore, #tpu.memory_space<semaphore_mem>>)
      %dma_wait3A_18 = arith.constant 0 : i32
      %dma_wait3A_19 = tpu.memref_slice %arg4[%mul3A_14, %dma_wait3A_18] : memref<16384x64xf32, #tpu.memory_space<hbm>> -> memref<512x64xf32, #tpu.memory_space<hbm>>
      %dma_wait3A_20 = arith.constant 0 : i32
      %dma_wait3A_21 = tpu.memref_slice %arg4[%mul3A_14, %dma_wait3A_20] : memref<16384x64xf32, #tpu.memory_space<hbm>> -> memref<512x64xf32, #tpu.memory_space<hbm>>
      tpu.wait_dma2 semaphore(%run_scoped3A : memref<!tpu.dma_semaphore, #tpu.memory_space<semaphore_mem>>) src(%arg6 : memref<512x64xf32, #tpu.memory_space<vmem>>) dst(%dma_wait3A_21 : memref<512x64xf32, #tpu.memory_space<hbm>>)
      tpu.yield
    }) : () -> ()
    return
  }
}

#map = affine_map<(d0, d1) -> (0, 0)>
module attributes {stable_mosaic.version = 14 : i64} {
  func.func @_sc_gather(%arg0: i32, %arg1: i32, %arg2: memref<100000x64xf32, #tpu.memory_space<hbm>>, %arg3: memref<128x128xi32, #tpu.memory_space<hbm>>, %arg4: memref<128x128xi32, #tpu.memory_space<hbm>>, %arg5: memref<16384x64xf32, #tpu.memory_space<hbm>>, %arg6: memref<16384x64xf32, #tpu.memory_space<hbm>>, %arg7: memref<4x128xi32, #tpu.memory_space<vmem>>, %arg8: memref<512x64xf32, #tpu.memory_space<vmem>>, %arg9: memref<!tpu.dma_semaphore, #tpu.memory_space<semaphore_mem>>) attributes {dimension_semantics = [#tpu.dimension_semantics<core_parallel>, #tpu.dimension_semantics<subcore_parallel>], iteration_bounds = array<i64: 2, 16>, scalar_prefetch = 0 : i64, scratch_operands = 3 : i64, tpu.core_type = #tpu.core_type<sc_vector_subcore>, window_params = [{transform_indices = #map}, {transform_indices = #map}, {transform_indices = #map}, {transform_indices = #map}, {transform_indices = #map}]} {
    %mul3A = arith.constant 2 : i32
    %mul3A_0 = arith.muli %arg1, %mul3A : i32
    %add3A = arith.addi %mul3A_0, %arg0 : i32
    %mul3A_1 = arith.constant 4 : i32
    %mul3A_2 = arith.muli %add3A, %mul3A_1 : i32
    "tpu.region"() ({
      %run_scoped3A = tpu.sem_alloc : memref<!tpu.dma_semaphore, #tpu.memory_space<semaphore_mem>>
      %dma_start3A = arith.constant 0 : i32
      %dma_start3A_29 = tpu.memref_slice %arg3[%mul3A_2, %dma_start3A] : memref<128x128xi32, #tpu.memory_space<hbm>> -> memref<4x128xi32, #tpu.memory_space<hbm>>
      %dma_start3A_30 = arith.constant 0 : i32
      %dma_start3A_31 = tpu.memref_slice %arg3[%mul3A_2, %dma_start3A_30] : memref<128x128xi32, #tpu.memory_space<hbm>> -> memref<4x128xi32, #tpu.memory_space<hbm>>
      tpu.enqueue_dma source(%dma_start3A_31 : memref<4x128xi32, #tpu.memory_space<hbm>>) target(%arg7 : memref<4x128xi32, #tpu.memory_space<vmem>>) target_semaphore(%run_scoped3A : memref<!tpu.dma_semaphore, #tpu.memory_space<semaphore_mem>>)
      %dma_wait3A_32 = arith.constant 0 : i32
      %dma_wait3A_33 = tpu.memref_slice %arg3[%mul3A_2, %dma_wait3A_32] : memref<128x128xi32, #tpu.memory_space<hbm>> -> memref<4x128xi32, #tpu.memory_space<hbm>>
      %dma_wait3A_34 = arith.constant 0 : i32
      %dma_wait3A_35 = tpu.memref_slice %arg3[%mul3A_2, %dma_wait3A_34] : memref<128x128xi32, #tpu.memory_space<hbm>> -> memref<4x128xi32, #tpu.memory_space<hbm>>
      tpu.wait_dma2 semaphore(%run_scoped3A : memref<!tpu.dma_semaphore, #tpu.memory_space<semaphore_mem>>) src(%dma_wait3A_35 : memref<4x128xi32, #tpu.memory_space<hbm>>) dst(%arg7 : memref<4x128xi32, #tpu.memory_space<vmem>>)
      tpu.yield
    }) : () -> ()
    %scan3A = arith.constant 0 : i32
    %scan3A_3 = arith.constant 0 : i32
    %scan3A_4 = arith.constant 32 : i32
    %scan3A_5 = arith.addi %scan3A_3, %scan3A_4 : i32
    %scan3A_6 = arith.constant 1 : i32
    scf.for %scan3A_29 = %scan3A_3 to %scan3A_5 step %scan3A_6  : i32 {
      %jit3A = arith.constant 8 : i32
      %div3A = arith.divsi %scan3A_29, %jit3A : i32
      %sign3A = arith.constant 0 : i32
      %sign3A_30 = arith.cmpi sgt, %scan3A_29, %sign3A : i32
      %sign3A_31 = arith.extui %sign3A_30 : i1 to i32
      %sign3A_32 = arith.constant 0 : i32
      %sign3A_33 = arith.cmpi slt, %scan3A_29, %sign3A_32 : i32
      %sign3A_34 = arith.extui %sign3A_33 : i1 to i32
      %sign3A_35 = arith.subi %sign3A_31, %sign3A_34 : i32
      %sign3A_36 = arith.constant 0 : i32
      %sign3A_37 = arith.cmpi sgt, %jit3A, %sign3A_36 : i32
      %sign3A_38 = arith.extui %sign3A_37 : i1 to i32
      %sign3A_39 = arith.constant 0 : i32
      %sign3A_40 = arith.cmpi slt, %jit3A, %sign3A_39 : i32
      %sign3A_41 = arith.extui %sign3A_40 : i1 to i32
      %sign3A_42 = arith.subi %sign3A_38, %sign3A_41 : i32
      %ne3A = arith.cmpi ne, %sign3A_35, %sign3A_42 : i32
      %rem3A = arith.remsi %scan3A_29, %jit3A : i32
      %ne3A_43 = arith.constant 0 : i32
      %ne3A_44 = arith.cmpi ne, %rem3A, %ne3A_43 : i32
      %and3A = arith.andi %ne3A, %ne3A_44 : i1
      %sub3A = arith.constant 1 : i32
      %sub3A_45 = arith.subi %div3A, %sub3A : i32
      %select_n3A = arith.select %and3A, %sub3A_45, %div3A : i32
      %mul3A_46 = arith.constant 8 : i32
      %mul3A_47 = arith.muli %select_n3A, %mul3A_46 : i32
      %sub3A_48 = arith.subi %scan3A_29, %mul3A_47 : i32
      %mul3A_49 = arith.constant 16 : i32
      %mul3A_50 = arith.muli %sub3A_48, %mul3A_49 : i32
      %get3A = arith.index_cast %select_n3A : i32 to index
      %get3A_51 = arith.index_cast %mul3A_50 : i32 to index
      %get3A_52 = tpu.vector_load %arg7[%get3A, %get3A_51] {strides = array<i32>} : memref<4x128xi32, #tpu.memory_space<vmem>>, vector<1x16xi32>,
      %get3A_53 = vector.shape_cast %get3A_52 : vector<1x16xi32> to vector<16xi32>
      %slice3A = vector.extract_strided_slice %get3A_53 {offsets = [0], sizes = [1], strides = [1]} : vector<16xi32> to vector<1xi32>
      %squeeze3A = vector.extract %slice3A[0] : i32 from vector<1xi32>
      %mul3A_54 = arith.constant 16 : i32
      %mul3A_55 = arith.muli %scan3A_29, %mul3A_54 : i32
      %add3A_56 = arith.constant 0 : i32
      %add3A_57 = arith.addi %mul3A_55, %add3A_56 : i32
      %dma_start3A = arith.constant 0 : i32
      %dma_start3A_58 = tpu.memref_slice %arg8[%add3A_57, %dma_start3A] : memref<512x64xf32, #tpu.memory_space<vmem>> -> memref<1x64xf32, #tpu.memory_space<vmem>>
      %dma_start3A_59 = arith.constant 0 : i32
      %dma_start3A_60 = tpu.memref_slice %arg2[%squeeze3A, %dma_start3A_59] : memref<100000x64xf32, #tpu.memory_space<hbm>> -> memref<1x64xf32, #tpu.memory_space<hbm>>
      %dma_start3A_61 = arith.constant 0 : i32
      %dma_start3A_62 = tpu.memref_slice %arg8[%add3A_57, %dma_start3A_61] : memref<512x64xf32, #tpu.memory_space<vmem>> -> memref<1x64xf32, #tpu.memory_space<vmem>>
      %dma_start3A_63 = arith.constant 0 : i32
      %dma_start3A_64 = tpu.memref_slice %arg2[%squeeze3A, %dma_start3A_63] : memref<100000x64xf32, #tpu.memory_space<hbm>> -> memref<1x64xf32, #tpu.memory_space<hbm>>
      tpu.enqueue_dma source(%dma_start3A_64 : memref<1x64xf32, #tpu.memory_space<hbm>>) target(%dma_start3A_62 : memref<1x64xf32, #tpu.memory_space<vmem>>) target_semaphore(%arg9 : memref<!tpu.dma_semaphore, #tpu.memory_space<semaphore_mem>>)
      %slice3A_65 = vector.extract_strided_slice %get3A_53 {offsets = [1], sizes = [1], strides = [1]} : vector<16xi32> to vector<1xi32>
      %squeeze3A_66 = vector.extract %slice3A_65[0] : i32 from vector<1xi32>
      %mul3A_67 = arith.constant 16 : i32
      %mul3A_68 = arith.muli %scan3A_29, %mul3A_67 : i32
      %add3A_69 = arith.constant 1 : i32
      %add3A_70 = arith.addi %mul3A_68, %add3A_69 : i32
      %dma_start3A_71 = arith.constant 0 : i32
      %dma_start3A_72 = tpu.memref_slice %arg8[%add3A_70, %dma_start3A_71] : memref<512x64xf32, #tpu.memory_space<vmem>> -> memref<1x64xf32, #tpu.memory_space<vmem>>
      %dma_start3A_73 = arith.constant 0 : i32
      %dma_start3A_74 = tpu.memref_slice %arg2[%squeeze3A_66, %dma_start3A_73] : memref<100000x64xf32, #tpu.memory_space<hbm>> -> memref<1x64xf32, #tpu.memory_space<hbm>>
      %dma_start3A_75 = arith.constant 0 : i32
      %dma_start3A_76 = tpu.memref_slice %arg8[%add3A_70, %dma_start3A_75] : memref<512x64xf32, #tpu.memory_space<vmem>> -> memref<1x64xf32, #tpu.memory_space<vmem>>
      %dma_start3A_77 = arith.constant 0 : i32
      %dma_start3A_78 = tpu.memref_slice %arg2[%squeeze3A_66, %dma_start3A_77] : memref<100000x64xf32, #tpu.memory_space<hbm>> -> memref<1x64xf32, #tpu.memory_space<hbm>>
      tpu.enqueue_dma source(%dma_start3A_78 : memref<1x64xf32, #tpu.memory_space<hbm>>) target(%dma_start3A_76 : memref<1x64xf32, #tpu.memory_space<vmem>>) target_semaphore(%arg9 : memref<!tpu.dma_semaphore, #tpu.memory_space<semaphore_mem>>)
      %slice3A_79 = vector.extract_strided_slice %get3A_53 {offsets = [2], sizes = [1], strides = [1]} : vector<16xi32> to vector<1xi32>
      %squeeze3A_80 = vector.extract %slice3A_79[0] : i32 from vector<1xi32>
      %mul3A_81 = arith.constant 16 : i32
      %mul3A_82 = arith.muli %scan3A_29, %mul3A_81 : i32
      %add3A_83 = arith.constant 2 : i32
      %add3A_84 = arith.addi %mul3A_82, %add3A_83 : i32
      %dma_start3A_85 = arith.constant 0 : i32
      %dma_start3A_86 = tpu.memref_slice %arg8[%add3A_84, %dma_start3A_85] : memref<512x64xf32, #tpu.memory_space<vmem>> -> memref<1x64xf32, #tpu.memory_space<vmem>>
      %dma_start3A_87 = arith.constant 0 : i32
      %dma_start3A_88 = tpu.memref_slice %arg2[%squeeze3A_80, %dma_start3A_87] : memref<100000x64xf32, #tpu.memory_space<hbm>> -> memref<1x64xf32, #tpu.memory_space<hbm>>
      %dma_start3A_89 = arith.constant 0 : i32
      %dma_start3A_90 = tpu.memref_slice %arg8[%add3A_84, %dma_start3A_89] : memref<512x64xf32, #tpu.memory_space<vmem>> -> memref<1x64xf32, #tpu.memory_space<vmem>>
      %dma_start3A_91 = arith.constant 0 : i32
      %dma_start3A_92 = tpu.memref_slice %arg2[%squeeze3A_80, %dma_start3A_91] : memref<100000x64xf32, #tpu.memory_space<hbm>> -> memref<1x64xf32, #tpu.memory_space<hbm>>
      tpu.enqueue_dma source(%dma_start3A_92 : memref<1x64xf32, #tpu.memory_space<hbm>>) target(%dma_start3A_90 : memref<1x64xf32, #tpu.memory_space<vmem>>) target_semaphore(%arg9 : memref<!tpu.dma_semaphore, #tpu.memory_space<semaphore_mem>>)
      %slice3A_93 = vector.extract_strided_slice %get3A_53 {offsets = [3], sizes = [1], strides = [1]} : vector<16xi32> to vector<1xi32>
      %squeeze3A_94 = vector.extract %slice3A_93[0] : i32 from vector<1xi32>
      %mul3A_95 = arith.constant 16 : i32
      %mul3A_96 = arith.muli %scan3A_29, %mul3A_95 : i32
      %add3A_97 = arith.constant 3 : i32
      %add3A_98 = arith.addi %mul3A_96, %add3A_97 : i32
      %dma_start3A_99 = arith.constant 0 : i32
      %dma_start3A_100 = tpu.memref_slice %arg8[%add3A_98, %dma_start3A_99] : memref<512x64xf32, #tpu.memory_space<vmem>> -> memref<1x64xf32, #tpu.memory_space<vmem>>
      %dma_start3A_101 = arith.constant 0 : i32
      %dma_start3A_102 = tpu.memref_slice %arg2[%squeeze3A_94, %dma_start3A_101] : memref<100000x64xf32, #tpu.memory_space<hbm>> -> memref<1x64xf32, #tpu.memory_space<hbm>>
      %dma_start3A_103 = arith.constant 0 : i32
      %dma_start3A_104 = tpu.memref_slice %arg8[%add3A_98, %dma_start3A_103] : memref<512x64xf32, #tpu.memory_space<vmem>> -> memref<1x64xf32, #tpu.memory_space<vmem>>
      %dma_start3A_105 = arith.constant 0 : i32
      %dma_start3A_106 = tpu.memref_slice %arg2[%squeeze3A_94, %dma_start3A_105] : memref<100000x64xf32, #tpu.memory_space<hbm>> -> memref<1x64xf32, #tpu.memory_space<hbm>>
      tpu.enqueue_dma source(%dma_start3A_106 : memref<1x64xf32, #tpu.memory_space<hbm>>) target(%dma_start3A_104 : memref<1x64xf32, #tpu.memory_space<vmem>>) target_semaphore(%arg9 : memref<!tpu.dma_semaphore, #tpu.memory_space<semaphore_mem>>)
      %slice3A_107 = vector.extract_strided_slice %get3A_53 {offsets = [4], sizes = [1], strides = [1]} : vector<16xi32> to vector<1xi32>
      %squeeze3A_108 = vector.extract %slice3A_107[0] : i32 from vector<1xi32>
      %mul3A_109 = arith.constant 16 : i32
      %mul3A_110 = arith.muli %scan3A_29, %mul3A_109 : i32
      %add3A_111 = arith.constant 4 : i32
      %add3A_112 = arith.addi %mul3A_110, %add3A_111 : i32
      %dma_start3A_113 = arith.constant 0 : i32
      %dma_start3A_114 = tpu.memref_slice %arg8[%add3A_112, %dma_start3A_113] : memref<512x64xf32, #tpu.memory_space<vmem>> -> memref<1x64xf32, #tpu.memory_space<vmem>>
      %dma_start3A_115 = arith.constant 0 : i32
      %dma_start3A_116 = tpu.memref_slice %arg2[%squeeze3A_108, %dma_start3A_115] : memref<100000x64xf32, #tpu.memory_space<hbm>> -> memref<1x64xf32, #tpu.memory_space<hbm>>
      %dma_start3A_117 = arith.constant 0 : i32
      %dma_start3A_118 = tpu.memref_slice %arg8[%add3A_112, %dma_start3A_117] : memref<512x64xf32, #tpu.memory_space<vmem>> -> memref<1x64xf32, #tpu.memory_space<vmem>>
      %dma_start3A_119 = arith.constant 0 : i32
      %dma_start3A_120 = tpu.memref_slice %arg2[%squeeze3A_108, %dma_start3A_119] : memref<100000x64xf32, #tpu.memory_space<hbm>> -> memref<1x64xf32, #tpu.memory_space<hbm>>
      tpu.enqueue_dma source(%dma_start3A_120 : memref<1x64xf32, #tpu.memory_space<hbm>>) target(%dma_start3A_118 : memref<1x64xf32, #tpu.memory_space<vmem>>) target_semaphore(%arg9 : memref<!tpu.dma_semaphore, #tpu.memory_space<semaphore_mem>>)
      %slice3A_121 = vector.extract_strided_slice %get3A_53 {offsets = [5], sizes = [1], strides = [1]} : vector<16xi32> to vector<1xi32>
      %squeeze3A_122 = vector.extract %slice3A_121[0] : i32 from vector<1xi32>
      %mul3A_123 = arith.constant 16 : i32
      %mul3A_124 = arith.muli %scan3A_29, %mul3A_123 : i32
      %add3A_125 = arith.constant 5 : i32
      %add3A_126 = arith.addi %mul3A_124, %add3A_125 : i32
      %dma_start3A_127 = arith.constant 0 : i32
      %dma_start3A_128 = tpu.memref_slice %arg8[%add3A_126, %dma_start3A_127] : memref<512x64xf32, #tpu.memory_space<vmem>> -> memref<1x64xf32, #tpu.memory_space<vmem>>
      %dma_start3A_129 = arith.constant 0 : i32
      %dma_start3A_130 = tpu.memref_slice %arg2[%squeeze3A_122, %dma_start3A_129] : memref<100000x64xf32, #tpu.memory_space<hbm>> -> memref<1x64xf32, #tpu.memory_space<hbm>>
      %dma_start3A_131 = arith.constant 0 : i32
      %dma_start3A_132 = tpu.memref_slice %arg8[%add3A_126, %dma_start3A_131] : memref<512x64xf32, #tpu.memory_space<vmem>> -> memref<1x64xf32, #tpu.memory_space<vmem>>
      %dma_start3A_133 = arith.constant 0 : i32
      %dma_start3A_134 = tpu.memref_slice %arg2[%squeeze3A_122, %dma_start3A_133] : memref<100000x64xf32, #tpu.memory_space<hbm>> -> memref<1x64xf32, #tpu.memory_space<hbm>>
      tpu.enqueue_dma source(%dma_start3A_134 : memref<1x64xf32, #tpu.memory_space<hbm>>) target(%dma_start3A_132 : memref<1x64xf32, #tpu.memory_space<vmem>>) target_semaphore(%arg9 : memref<!tpu.dma_semaphore, #tpu.memory_space<semaphore_mem>>)
      %slice3A_135 = vector.extract_strided_slice %get3A_53 {offsets = [6], sizes = [1], strides = [1]} : vector<16xi32> to vector<1xi32>
      %squeeze3A_136 = vector.extract %slice3A_135[0] : i32 from vector<1xi32>
      %mul3A_137 = arith.constant 16 : i32
      %mul3A_138 = arith.muli %scan3A_29, %mul3A_137 : i32
      %add3A_139 = arith.constant 6 : i32
      %add3A_140 = arith.addi %mul3A_138, %add3A_139 : i32
      %dma_start3A_141 = arith.constant 0 : i32
      %dma_start3A_142 = tpu.memref_slice %arg8[%add3A_140, %dma_start3A_141] : memref<512x64xf32, #tpu.memory_space<vmem>> -> memref<1x64xf32, #tpu.memory_space<vmem>>
      %dma_start3A_143 = arith.constant 0 : i32
      %dma_start3A_144 = tpu.memref_slice %arg2[%squeeze3A_136, %dma_start3A_143] : memref<100000x64xf32, #tpu.memory_space<hbm>> -> memref<1x64xf32, #tpu.memory_space<hbm>>
      %dma_start3A_145 = arith.constant 0 : i32
      %dma_start3A_146 = tpu.memref_slice %arg8[%add3A_140, %dma_start3A_145] : memref<512x64xf32, #tpu.memory_space<vmem>> -> memref<1x64xf32, #tpu.memory_space<vmem>>
      %dma_start3A_147 = arith.constant 0 : i32
      %dma_start3A_148 = tpu.memref_slice %arg2[%squeeze3A_136, %dma_start3A_147] : memref<100000x64xf32, #tpu.memory_space<hbm>> -> memref<1x64xf32, #tpu.memory_space<hbm>>
      tpu.enqueue_dma source(%dma_start3A_148 : memref<1x64xf32, #tpu.memory_space<hbm>>) target(%dma_start3A_146 : memref<1x64xf32, #tpu.memory_space<vmem>>) target_semaphore(%arg9 : memref<!tpu.dma_semaphore, #tpu.memory_space<semaphore_mem>>)
      %slice3A_149 = vector.extract_strided_slice %get3A_53 {offsets = [7], sizes = [1], strides = [1]} : vector<16xi32> to vector<1xi32>
      %squeeze3A_150 = vector.extract %slice3A_149[0] : i32 from vector<1xi32>
      %mul3A_151 = arith.constant 16 : i32
      %mul3A_152 = arith.muli %scan3A_29, %mul3A_151 : i32
      %add3A_153 = arith.constant 7 : i32
      %add3A_154 = arith.addi %mul3A_152, %add3A_153 : i32
      %dma_start3A_155 = arith.constant 0 : i32
      %dma_start3A_156 = tpu.memref_slice %arg8[%add3A_154, %dma_start3A_155] : memref<512x64xf32, #tpu.memory_space<vmem>> -> memref<1x64xf32, #tpu.memory_space<vmem>>
      %dma_start3A_157 = arith.constant 0 : i32
      %dma_start3A_158 = tpu.memref_slice %arg2[%squeeze3A_150, %dma_start3A_157] : memref<100000x64xf32, #tpu.memory_space<hbm>> -> memref<1x64xf32, #tpu.memory_space<hbm>>
      %dma_start3A_159 = arith.constant 0 : i32
      %dma_start3A_160 = tpu.memref_slice %arg8[%add3A_154, %dma_start3A_159] : memref<512x64xf32, #tpu.memory_space<vmem>> -> memref<1x64xf32, #tpu.memory_space<vmem>>
      %dma_start3A_161 = arith.constant 0 : i32
      %dma_start3A_162 = tpu.memref_slice %arg2[%squeeze3A_150, %dma_start3A_161] : memref<100000x64xf32, #tpu.memory_space<hbm>> -> memref<1x64xf32, #tpu.memory_space<hbm>>
      tpu.enqueue_dma source(%dma_start3A_162 : memref<1x64xf32, #tpu.memory_space<hbm>>) target(%dma_start3A_160 : memref<1x64xf32, #tpu.memory_space<vmem>>) target_semaphore(%arg9 : memref<!tpu.dma_semaphore, #tpu.memory_space<semaphore_mem>>)
      %slice3A_163 = vector.extract_strided_slice %get3A_53 {offsets = [8], sizes = [1], strides = [1]} : vector<16xi32> to vector<1xi32>
      %squeeze3A_164 = vector.extract %slice3A_163[0] : i32 from vector<1xi32>
      %mul3A_165 = arith.constant 16 : i32
      %mul3A_166 = arith.muli %scan3A_29, %mul3A_165 : i32
      %add3A_167 = arith.constant 8 : i32
      %add3A_168 = arith.addi %mul3A_166, %add3A_167 : i32
      %dma_start3A_169 = arith.constant 0 : i32
      %dma_start3A_170 = tpu.memref_slice %arg8[%add3A_168, %dma_start3A_169] : memref<512x64xf32, #tpu.memory_space<vmem>> -> memref<1x64xf32, #tpu.memory_space<vmem>>
      %dma_start3A_171 = arith.constant 0 : i32
      %dma_start3A_172 = tpu.memref_slice %arg2[%squeeze3A_164, %dma_start3A_171] : memref<100000x64xf32, #tpu.memory_space<hbm>> -> memref<1x64xf32, #tpu.memory_space<hbm>>
      %dma_start3A_173 = arith.constant 0 : i32
      %dma_start3A_174 = tpu.memref_slice %arg8[%add3A_168, %dma_start3A_173] : memref<512x64xf32, #tpu.memory_space<vmem>> -> memref<1x64xf32, #tpu.memory_space<vmem>>
      %dma_start3A_175 = arith.constant 0 : i32
      %dma_start3A_176 = tpu.memref_slice %arg2[%squeeze3A_164, %dma_start3A_175] : memref<100000x64xf32, #tpu.memory_space<hbm>> -> memref<1x64xf32, #tpu.memory_space<hbm>>
      tpu.enqueue_dma source(%dma_start3A_176 : memref<1x64xf32, #tpu.memory_space<hbm>>) target(%dma_start3A_174 : memref<1x64xf32, #tpu.memory_space<vmem>>) target_semaphore(%arg9 : memref<!tpu.dma_semaphore, #tpu.memory_space<semaphore_mem>>)
      %slice3A_177 = vector.extract_strided_slice %get3A_53 {offsets = [9], sizes = [1], strides = [1]} : vector<16xi32> to vector<1xi32>
      %squeeze3A_178 = vector.extract %slice3A_177[0] : i32 from vector<1xi32>
      %mul3A_179 = arith.constant 16 : i32
      %mul3A_180 = arith.muli %scan3A_29, %mul3A_179 : i32
      %add3A_181 = arith.constant 9 : i32
      %add3A_182 = arith.addi %mul3A_180, %add3A_181 : i32
      %dma_start3A_183 = arith.constant 0 : i32
      %dma_start3A_184 = tpu.memref_slice %arg8[%add3A_182, %dma_start3A_183] : memref<512x64xf32, #tpu.memory_space<vmem>> -> memref<1x64xf32, #tpu.memory_space<vmem>>
      %dma_start3A_185 = arith.constant 0 : i32
      %dma_start3A_186 = tpu.memref_slice %arg2[%squeeze3A_178, %dma_start3A_185] : memref<100000x64xf32, #tpu.memory_space<hbm>> -> memref<1x64xf32, #tpu.memory_space<hbm>>
      %dma_start3A_187 = arith.constant 0 : i32
      %dma_start3A_188 = tpu.memref_slice %arg8[%add3A_182, %dma_start3A_187] : memref<512x64xf32, #tpu.memory_space<vmem>> -> memref<1x64xf32, #tpu.memory_space<vmem>>
      %dma_start3A_189 = arith.constant 0 : i32
      %dma_start3A_190 = tpu.memref_slice %arg2[%squeeze3A_178, %dma_start3A_189] : memref<100000x64xf32, #tpu.memory_space<hbm>> -> memref<1x64xf32, #tpu.memory_space<hbm>>
      tpu.enqueue_dma source(%dma_start3A_190 : memref<1x64xf32, #tpu.memory_space<hbm>>) target(%dma_start3A_188 : memref<1x64xf32, #tpu.memory_space<vmem>>) target_semaphore(%arg9 : memref<!tpu.dma_semaphore, #tpu.memory_space<semaphore_mem>>)
      %slice3A_191 = vector.extract_strided_slice %get3A_53 {offsets = [10], sizes = [1], strides = [1]} : vector<16xi32> to vector<1xi32>
      %squeeze3A_192 = vector.extract %slice3A_191[0] : i32 from vector<1xi32>
      %mul3A_193 = arith.constant 16 : i32
      %mul3A_194 = arith.muli %scan3A_29, %mul3A_193 : i32
      %add3A_195 = arith.constant 10 : i32
      %add3A_196 = arith.addi %mul3A_194, %add3A_195 : i32
      %dma_start3A_197 = arith.constant 0 : i32
      %dma_start3A_198 = tpu.memref_slice %arg8[%add3A_196, %dma_start3A_197] : memref<512x64xf32, #tpu.memory_space<vmem>> -> memref<1x64xf32, #tpu.memory_space<vmem>>
      %dma_start3A_199 = arith.constant 0 : i32
      %dma_start3A_200 = tpu.memref_slice %arg2[%squeeze3A_192, %dma_start3A_199] : memref<100000x64xf32, #tpu.memory_space<hbm>> -> memref<1x64xf32, #tpu.memory_space<hbm>>
      %dma_start3A_201 = arith.constant 0 : i32
      %dma_start3A_202 = tpu.memref_slice %arg8[%add3A_196, %dma_start3A_201] : memref<512x64xf32, #tpu.memory_space<vmem>> -> memref<1x64xf32, #tpu.memory_space<vmem>>
      %dma_start3A_203 = arith.constant 0 : i32
      %dma_start3A_204 = tpu.memref_slice %arg2[%squeeze3A_192, %dma_start3A_203] : memref<100000x64xf32, #tpu.memory_space<hbm>> -> memref<1x64xf32, #tpu.memory_space<hbm>>
      tpu.enqueue_dma source(%dma_start3A_204 : memref<1x64xf32, #tpu.memory_space<hbm>>) target(%dma_start3A_202 : memref<1x64xf32, #tpu.memory_space<vmem>>) target_semaphore(%arg9 : memref<!tpu.dma_semaphore, #tpu.memory_space<semaphore_mem>>)
      %slice3A_205 = vector.extract_strided_slice %get3A_53 {offsets = [11], sizes = [1], strides = [1]} : vector<16xi32> to vector<1xi32>
      %squeeze3A_206 = vector.extract %slice3A_205[0] : i32 from vector<1xi32>
      %mul3A_207 = arith.constant 16 : i32
      %mul3A_208 = arith.muli %scan3A_29, %mul3A_207 : i32
      %add3A_209 = arith.constant 11 : i32
      %add3A_210 = arith.addi %mul3A_208, %add3A_209 : i32
      %dma_start3A_211 = arith.constant 0 : i32
      %dma_start3A_212 = tpu.memref_slice %arg8[%add3A_210, %dma_start3A_211] : memref<512x64xf32, #tpu.memory_space<vmem>> -> memref<1x64xf32, #tpu.memory_space<vmem>>
      %dma_start3A_213 = arith.constant 0 : i32
      %dma_start3A_214 = tpu.memref_slice %arg2[%squeeze3A_206, %dma_start3A_213] : memref<100000x64xf32, #tpu.memory_space<hbm>> -> memref<1x64xf32, #tpu.memory_space<hbm>>
      %dma_start3A_215 = arith.constant 0 : i32
      %dma_start3A_216 = tpu.memref_slice %arg8[%add3A_210, %dma_start3A_215] : memref<512x64xf32, #tpu.memory_space<vmem>> -> memref<1x64xf32, #tpu.memory_space<vmem>>
      %dma_start3A_217 = arith.constant 0 : i32
      %dma_start3A_218 = tpu.memref_slice %arg2[%squeeze3A_206, %dma_start3A_217] : memref<100000x64xf32, #tpu.memory_space<hbm>> -> memref<1x64xf32, #tpu.memory_space<hbm>>
      tpu.enqueue_dma source(%dma_start3A_218 : memref<1x64xf32, #tpu.memory_space<hbm>>) target(%dma_start3A_216 : memref<1x64xf32, #tpu.memory_space<vmem>>) target_semaphore(%arg9 : memref<!tpu.dma_semaphore, #tpu.memory_space<semaphore_mem>>)
      %slice3A_219 = vector.extract_strided_slice %get3A_53 {offsets = [12], sizes = [1], strides = [1]} : vector<16xi32> to vector<1xi32>
      %squeeze3A_220 = vector.extract %slice3A_219[0] : i32 from vector<1xi32>
      %mul3A_221 = arith.constant 16 : i32
      %mul3A_222 = arith.muli %scan3A_29, %mul3A_221 : i32
      %add3A_223 = arith.constant 12 : i32
      %add3A_224 = arith.addi %mul3A_222, %add3A_223 : i32
      %dma_start3A_225 = arith.constant 0 : i32
      %dma_start3A_226 = tpu.memref_slice %arg8[%add3A_224, %dma_start3A_225] : memref<512x64xf32, #tpu.memory_space<vmem>> -> memref<1x64xf32, #tpu.memory_space<vmem>>
      %dma_start3A_227 = arith.constant 0 : i32
      %dma_start3A_228 = tpu.memref_slice %arg2[%squeeze3A_220, %dma_start3A_227] : memref<100000x64xf32, #tpu.memory_space<hbm>> -> memref<1x64xf32, #tpu.memory_space<hbm>>
      %dma_start3A_229 = arith.constant 0 : i32
      %dma_start3A_230 = tpu.memref_slice %arg8[%add3A_224, %dma_start3A_229] : memref<512x64xf32, #tpu.memory_space<vmem>> -> memref<1x64xf32, #tpu.memory_space<vmem>>
      %dma_start3A_231 = arith.constant 0 : i32
      %dma_start3A_232 = tpu.memref_slice %arg2[%squeeze3A_220, %dma_start3A_231] : memref<100000x64xf32, #tpu.memory_space<hbm>> -> memref<1x64xf32, #tpu.memory_space<hbm>>
      tpu.enqueue_dma source(%dma_start3A_232 : memref<1x64xf32, #tpu.memory_space<hbm>>) target(%dma_start3A_230 : memref<1x64xf32, #tpu.memory_space<vmem>>) target_semaphore(%arg9 : memref<!tpu.dma_semaphore, #tpu.memory_space<semaphore_mem>>)
      %slice3A_233 = vector.extract_strided_slice %get3A_53 {offsets = [13], sizes = [1], strides = [1]} : vector<16xi32> to vector<1xi32>
      %squeeze3A_234 = vector.extract %slice3A_233[0] : i32 from vector<1xi32>
      %mul3A_235 = arith.constant 16 : i32
      %mul3A_236 = arith.muli %scan3A_29, %mul3A_235 : i32
      %add3A_237 = arith.constant 13 : i32
      %add3A_238 = arith.addi %mul3A_236, %add3A_237 : i32
      %dma_start3A_239 = arith.constant 0 : i32
      %dma_start3A_240 = tpu.memref_slice %arg8[%add3A_238, %dma_start3A_239] : memref<512x64xf32, #tpu.memory_space<vmem>> -> memref<1x64xf32, #tpu.memory_space<vmem>>
      %dma_start3A_241 = arith.constant 0 : i32
      %dma_start3A_242 = tpu.memref_slice %arg2[%squeeze3A_234, %dma_start3A_241] : memref<100000x64xf32, #tpu.memory_space<hbm>> -> memref<1x64xf32, #tpu.memory_space<hbm>>
      %dma_start3A_243 = arith.constant 0 : i32
      %dma_start3A_244 = tpu.memref_slice %arg8[%add3A_238, %dma_start3A_243] : memref<512x64xf32, #tpu.memory_space<vmem>> -> memref<1x64xf32, #tpu.memory_space<vmem>>
      %dma_start3A_245 = arith.constant 0 : i32
      %dma_start3A_246 = tpu.memref_slice %arg2[%squeeze3A_234, %dma_start3A_245] : memref<100000x64xf32, #tpu.memory_space<hbm>> -> memref<1x64xf32, #tpu.memory_space<hbm>>
      tpu.enqueue_dma source(%dma_start3A_246 : memref<1x64xf32, #tpu.memory_space<hbm>>) target(%dma_start3A_244 : memref<1x64xf32, #tpu.memory_space<vmem>>) target_semaphore(%arg9 : memref<!tpu.dma_semaphore, #tpu.memory_space<semaphore_mem>>)
      %slice3A_247 = vector.extract_strided_slice %get3A_53 {offsets = [14], sizes = [1], strides = [1]} : vector<16xi32> to vector<1xi32>
      %squeeze3A_248 = vector.extract %slice3A_247[0] : i32 from vector<1xi32>
      %mul3A_249 = arith.constant 16 : i32
      %mul3A_250 = arith.muli %scan3A_29, %mul3A_249 : i32
      %add3A_251 = arith.constant 14 : i32
      %add3A_252 = arith.addi %mul3A_250, %add3A_251 : i32
      %dma_start3A_253 = arith.constant 0 : i32
      %dma_start3A_254 = tpu.memref_slice %arg8[%add3A_252, %dma_start3A_253] : memref<512x64xf32, #tpu.memory_space<vmem>> -> memref<1x64xf32, #tpu.memory_space<vmem>>
      %dma_start3A_255 = arith.constant 0 : i32
      %dma_start3A_256 = tpu.memref_slice %arg2[%squeeze3A_248, %dma_start3A_255] : memref<100000x64xf32, #tpu.memory_space<hbm>> -> memref<1x64xf32, #tpu.memory_space<hbm>>
      %dma_start3A_257 = arith.constant 0 : i32
      %dma_start3A_258 = tpu.memref_slice %arg8[%add3A_252, %dma_start3A_257] : memref<512x64xf32, #tpu.memory_space<vmem>> -> memref<1x64xf32, #tpu.memory_space<vmem>>
      %dma_start3A_259 = arith.constant 0 : i32
      %dma_start3A_260 = tpu.memref_slice %arg2[%squeeze3A_248, %dma_start3A_259] : memref<100000x64xf32, #tpu.memory_space<hbm>> -> memref<1x64xf32, #tpu.memory_space<hbm>>
      tpu.enqueue_dma source(%dma_start3A_260 : memref<1x64xf32, #tpu.memory_space<hbm>>) target(%dma_start3A_258 : memref<1x64xf32, #tpu.memory_space<vmem>>) target_semaphore(%arg9 : memref<!tpu.dma_semaphore, #tpu.memory_space<semaphore_mem>>)
      %slice3A_261 = vector.extract_strided_slice %get3A_53 {offsets = [15], sizes = [1], strides = [1]} : vector<16xi32> to vector<1xi32>
      %squeeze3A_262 = vector.extract %slice3A_261[0] : i32 from vector<1xi32>
      %mul3A_263 = arith.constant 16 : i32
      %mul3A_264 = arith.muli %scan3A_29, %mul3A_263 : i32
      %add3A_265 = arith.constant 15 : i32
      %add3A_266 = arith.addi %mul3A_264, %add3A_265 : i32
      %dma_start3A_267 = arith.constant 0 : i32
      %dma_start3A_268 = tpu.memref_slice %arg8[%add3A_266, %dma_start3A_267] : memref<512x64xf32, #tpu.memory_space<vmem>> -> memref<1x64xf32, #tpu.memory_space<vmem>>
      %dma_start3A_269 = arith.constant 0 : i32
      %dma_start3A_270 = tpu.memref_slice %arg2[%squeeze3A_262, %dma_start3A_269] : memref<100000x64xf32, #tpu.memory_space<hbm>> -> memref<1x64xf32, #tpu.memory_space<hbm>>
      %dma_start3A_271 = arith.constant 0 : i32
      %dma_start3A_272 = tpu.memref_slice %arg8[%add3A_266, %dma_start3A_271] : memref<512x64xf32, #tpu.memory_space<vmem>> -> memref<1x64xf32, #tpu.memory_space<vmem>>
      %dma_start3A_273 = arith.constant 0 : i32
      %dma_start3A_274 = tpu.memref_slice %arg2[%squeeze3A_262, %dma_start3A_273] : memref<100000x64xf32, #tpu.memory_space<hbm>> -> memref<1x64xf32, #tpu.memory_space<hbm>>
      tpu.enqueue_dma source(%dma_start3A_274 : memref<1x64xf32, #tpu.memory_space<hbm>>) target(%dma_start3A_272 : memref<1x64xf32, #tpu.memory_space<vmem>>) target_semaphore(%arg9 : memref<!tpu.dma_semaphore, #tpu.memory_space<semaphore_mem>>)
    }
    %scan3A_7 = arith.constant 32 : i32
    %dma_wait3A = arith.constant 0 : i32
    %dma_wait3A_8 = arith.constant 0 : i32
    %dma_wait3A_9 = tpu.memref_slice %arg2[%dma_wait3A, %dma_wait3A_8] : memref<100000x64xf32, #tpu.memory_space<hbm>> -> memref<512x64xf32, #tpu.memory_space<hbm>>
    %dma_wait3A_10 = arith.constant 0 : i32
    %dma_wait3A_11 = arith.constant 0 : i32
    %dma_wait3A_12 = tpu.memref_slice %arg2[%dma_wait3A_10, %dma_wait3A_11] : memref<100000x64xf32, #tpu.memory_space<hbm>> -> memref<512x64xf32, #tpu.memory_space<hbm>>
    tpu.wait_dma2 semaphore(%arg9 : memref<!tpu.dma_semaphore, #tpu.memory_space<semaphore_mem>>) src(%dma_wait3A_12 : memref<512x64xf32, #tpu.memory_space<hbm>>) dst(%arg8 : memref<512x64xf32, #tpu.memory_space<vmem>>)
    %mul3A_13 = arith.constant 128 : i32
    %mul3A_14 = arith.muli %mul3A_2, %mul3A_13 : i32
    "tpu.region"() ({
      %run_scoped3A = tpu.sem_alloc : memref<!tpu.dma_semaphore, #tpu.memory_space<semaphore_mem>>
      %dma_start3A = arith.constant 0 : i32
      %dma_start3A_29 = tpu.memref_slice %arg5[%mul3A_14, %dma_start3A] : memref<16384x64xf32, #tpu.memory_space<hbm>> -> memref<512x64xf32, #tpu.memory_space<hbm>>
      %dma_start3A_30 = arith.constant 0 : i32
      %dma_start3A_31 = tpu.memref_slice %arg5[%mul3A_14, %dma_start3A_30] : memref<16384x64xf32, #tpu.memory_space<hbm>> -> memref<512x64xf32, #tpu.memory_space<hbm>>
      tpu.enqueue_dma source(%arg8 : memref<512x64xf32, #tpu.memory_space<vmem>>) target(%dma_start3A_31 : memref<512x64xf32, #tpu.memory_space<hbm>>) target_semaphore(%run_scoped3A : memref<!tpu.dma_semaphore, #tpu.memory_space<semaphore_mem>>)
      %dma_wait3A_32 = arith.constant 0 : i32
      %dma_wait3A_33 = tpu.memref_slice %arg5[%mul3A_14, %dma_wait3A_32] : memref<16384x64xf32, #tpu.memory_space<hbm>> -> memref<512x64xf32, #tpu.memory_space<hbm>>
      %dma_wait3A_34 = arith.constant 0 : i32
      %dma_wait3A_35 = tpu.memref_slice %arg5[%mul3A_14, %dma_wait3A_34] : memref<16384x64xf32, #tpu.memory_space<hbm>> -> memref<512x64xf32, #tpu.memory_space<hbm>>
      tpu.wait_dma2 semaphore(%run_scoped3A : memref<!tpu.dma_semaphore, #tpu.memory_space<semaphore_mem>>) src(%arg8 : memref<512x64xf32, #tpu.memory_space<vmem>>) dst(%dma_wait3A_35 : memref<512x64xf32, #tpu.memory_space<hbm>>)
      tpu.yield
    }) : () -> ()
    "tpu.region"() ({
      %run_scoped3A = tpu.sem_alloc : memref<!tpu.dma_semaphore, #tpu.memory_space<semaphore_mem>>
      %dma_start3A = arith.constant 0 : i32
      %dma_start3A_29 = tpu.memref_slice %arg4[%mul3A_2, %dma_start3A] : memref<128x128xi32, #tpu.memory_space<hbm>> -> memref<4x128xi32, #tpu.memory_space<hbm>>
      %dma_start3A_30 = arith.constant 0 : i32
      %dma_start3A_31 = tpu.memref_slice %arg4[%mul3A_2, %dma_start3A_30] : memref<128x128xi32, #tpu.memory_space<hbm>> -> memref<4x128xi32, #tpu.memory_space<hbm>>
      tpu.enqueue_dma source(%dma_start3A_31 : memref<4x128xi32, #tpu.memory_space<hbm>>) target(%arg7 : memref<4x128xi32, #tpu.memory_space<vmem>>) target_semaphore(%run_scoped3A : memref<!tpu.dma_semaphore, #tpu.memory_space<semaphore_mem>>)
      %dma_wait3A_32 = arith.constant 0 : i32
      %dma_wait3A_33 = tpu.memref_slice %arg4[%mul3A_2, %dma_wait3A_32] : memref<128x128xi32, #tpu.memory_space<hbm>> -> memref<4x128xi32, #tpu.memory_space<hbm>>
      %dma_wait3A_34 = arith.constant 0 : i32
      %dma_wait3A_35 = tpu.memref_slice %arg4[%mul3A_2, %dma_wait3A_34] : memref<128x128xi32, #tpu.memory_space<hbm>> -> memref<4x128xi32, #tpu.memory_space<hbm>>
      tpu.wait_dma2 semaphore(%run_scoped3A : memref<!tpu.dma_semaphore, #tpu.memory_space<semaphore_mem>>) src(%dma_wait3A_35 : memref<4x128xi32, #tpu.memory_space<hbm>>) dst(%arg7 : memref<4x128xi32, #tpu.memory_space<vmem>>)
      tpu.yield
    }) : () -> ()
    %scan3A_15 = arith.constant 0 : i32
    %scan3A_16 = arith.constant 0 : i32
    %scan3A_17 = arith.constant 32 : i32
    %scan3A_18 = arith.addi %scan3A_16, %scan3A_17 : i32
    %scan3A_19 = arith.constant 1 : i32
    scf.for %scan3A_29 = %scan3A_16 to %scan3A_18 step %scan3A_19  : i32 {
      %jit3A = arith.constant 8 : i32
      %div3A = arith.divsi %scan3A_29, %jit3A : i32
      %sign3A = arith.constant 0 : i32
      %sign3A_30 = arith.cmpi sgt, %scan3A_29, %sign3A : i32
      %sign3A_31 = arith.extui %sign3A_30 : i1 to i32
      %sign3A_32 = arith.constant 0 : i32
      %sign3A_33 = arith.cmpi slt, %scan3A_29, %sign3A_32 : i32
      %sign3A_34 = arith.extui %sign3A_33 : i1 to i32
      %sign3A_35 = arith.subi %sign3A_31, %sign3A_34 : i32
      %sign3A_36 = arith.constant 0 : i32
      %sign3A_37 = arith.cmpi sgt, %jit3A, %sign3A_36 : i32
      %sign3A_38 = arith.extui %sign3A_37 : i1 to i32
      %sign3A_39 = arith.constant 0 : i32
      %sign3A_40 = arith.cmpi slt, %jit3A, %sign3A_39 : i32
      %sign3A_41 = arith.extui %sign3A_40 : i1 to i32
      %sign3A_42 = arith.subi %sign3A_38, %sign3A_41 : i32
      %ne3A = arith.cmpi ne, %sign3A_35, %sign3A_42 : i32
      %rem3A = arith.remsi %scan3A_29, %jit3A : i32
      %ne3A_43 = arith.constant 0 : i32
      %ne3A_44 = arith.cmpi ne, %rem3A, %ne3A_43 : i32
      %and3A = arith.andi %ne3A, %ne3A_44 : i1
      %sub3A = arith.constant 1 : i32
      %sub3A_45 = arith.subi %div3A, %sub3A : i32
      %select_n3A = arith.select %and3A, %sub3A_45, %div3A : i32
      %mul3A_46 = arith.constant 8 : i32
      %mul3A_47 = arith.muli %select_n3A, %mul3A_46 : i32
      %sub3A_48 = arith.subi %scan3A_29, %mul3A_47 : i32
      %mul3A_49 = arith.constant 16 : i32
      %mul3A_50 = arith.muli %sub3A_48, %mul3A_49 : i32
      %get3A = arith.index_cast %select_n3A : i32 to index
      %get3A_51 = arith.index_cast %mul3A_50 : i32 to index
      %get3A_52 = tpu.vector_load %arg7[%get3A, %get3A_51] {strides = array<i32>} : memref<4x128xi32, #tpu.memory_space<vmem>>, vector<1x16xi32>,
      %get3A_53 = vector.shape_cast %get3A_52 : vector<1x16xi32> to vector<16xi32>
      %slice3A = vector.extract_strided_slice %get3A_53 {offsets = [0], sizes = [1], strides = [1]} : vector<16xi32> to vector<1xi32>
      %squeeze3A = vector.extract %slice3A[0] : i32 from vector<1xi32>
      %mul3A_54 = arith.constant 16 : i32
      %mul3A_55 = arith.muli %scan3A_29, %mul3A_54 : i32
      %add3A_56 = arith.constant 0 : i32
      %add3A_57 = arith.addi %mul3A_55, %add3A_56 : i32
      %dma_start3A = arith.constant 0 : i32
      %dma_start3A_58 = tpu.memref_slice %arg8[%add3A_57, %dma_start3A] : memref<512x64xf32, #tpu.memory_space<vmem>> -> memref<1x64xf32, #tpu.memory_space<vmem>>
      %dma_start3A_59 = arith.constant 0 : i32
      %dma_start3A_60 = tpu.memref_slice %arg2[%squeeze3A, %dma_start3A_59] : memref<100000x64xf32, #tpu.memory_space<hbm>> -> memref<1x64xf32, #tpu.memory_space<hbm>>
      %dma_start3A_61 = arith.constant 0 : i32
      %dma_start3A_62 = tpu.memref_slice %arg8[%add3A_57, %dma_start3A_61] : memref<512x64xf32, #tpu.memory_space<vmem>> -> memref<1x64xf32, #tpu.memory_space<vmem>>
      %dma_start3A_63 = arith.constant 0 : i32
      %dma_start3A_64 = tpu.memref_slice %arg2[%squeeze3A, %dma_start3A_63] : memref<100000x64xf32, #tpu.memory_space<hbm>> -> memref<1x64xf32, #tpu.memory_space<hbm>>
      tpu.enqueue_dma source(%dma_start3A_64 : memref<1x64xf32, #tpu.memory_space<hbm>>) target(%dma_start3A_62 : memref<1x64xf32, #tpu.memory_space<vmem>>) target_semaphore(%arg9 : memref<!tpu.dma_semaphore, #tpu.memory_space<semaphore_mem>>)
      %slice3A_65 = vector.extract_strided_slice %get3A_53 {offsets = [1], sizes = [1], strides = [1]} : vector<16xi32> to vector<1xi32>
      %squeeze3A_66 = vector.extract %slice3A_65[0] : i32 from vector<1xi32>
      %mul3A_67 = arith.constant 16 : i32
      %mul3A_68 = arith.muli %scan3A_29, %mul3A_67 : i32
      %add3A_69 = arith.constant 1 : i32
      %add3A_70 = arith.addi %mul3A_68, %add3A_69 : i32
      %dma_start3A_71 = arith.constant 0 : i32
      %dma_start3A_72 = tpu.memref_slice %arg8[%add3A_70, %dma_start3A_71] : memref<512x64xf32, #tpu.memory_space<vmem>> -> memref<1x64xf32, #tpu.memory_space<vmem>>
      %dma_start3A_73 = arith.constant 0 : i32
      %dma_start3A_74 = tpu.memref_slice %arg2[%squeeze3A_66, %dma_start3A_73] : memref<100000x64xf32, #tpu.memory_space<hbm>> -> memref<1x64xf32, #tpu.memory_space<hbm>>
      %dma_start3A_75 = arith.constant 0 : i32
      %dma_start3A_76 = tpu.memref_slice %arg8[%add3A_70, %dma_start3A_75] : memref<512x64xf32, #tpu.memory_space<vmem>> -> memref<1x64xf32, #tpu.memory_space<vmem>>
      %dma_start3A_77 = arith.constant 0 : i32
      %dma_start3A_78 = tpu.memref_slice %arg2[%squeeze3A_66, %dma_start3A_77] : memref<100000x64xf32, #tpu.memory_space<hbm>> -> memref<1x64xf32, #tpu.memory_space<hbm>>
      tpu.enqueue_dma source(%dma_start3A_78 : memref<1x64xf32, #tpu.memory_space<hbm>>) target(%dma_start3A_76 : memref<1x64xf32, #tpu.memory_space<vmem>>) target_semaphore(%arg9 : memref<!tpu.dma_semaphore, #tpu.memory_space<semaphore_mem>>)
      %slice3A_79 = vector.extract_strided_slice %get3A_53 {offsets = [2], sizes = [1], strides = [1]} : vector<16xi32> to vector<1xi32>
      %squeeze3A_80 = vector.extract %slice3A_79[0] : i32 from vector<1xi32>
      %mul3A_81 = arith.constant 16 : i32
      %mul3A_82 = arith.muli %scan3A_29, %mul3A_81 : i32
      %add3A_83 = arith.constant 2 : i32
      %add3A_84 = arith.addi %mul3A_82, %add3A_83 : i32
      %dma_start3A_85 = arith.constant 0 : i32
      %dma_start3A_86 = tpu.memref_slice %arg8[%add3A_84, %dma_start3A_85] : memref<512x64xf32, #tpu.memory_space<vmem>> -> memref<1x64xf32, #tpu.memory_space<vmem>>
      %dma_start3A_87 = arith.constant 0 : i32
      %dma_start3A_88 = tpu.memref_slice %arg2[%squeeze3A_80, %dma_start3A_87] : memref<100000x64xf32, #tpu.memory_space<hbm>> -> memref<1x64xf32, #tpu.memory_space<hbm>>
      %dma_start3A_89 = arith.constant 0 : i32
      %dma_start3A_90 = tpu.memref_slice %arg8[%add3A_84, %dma_start3A_89] : memref<512x64xf32, #tpu.memory_space<vmem>> -> memref<1x64xf32, #tpu.memory_space<vmem>>
      %dma_start3A_91 = arith.constant 0 : i32
      %dma_start3A_92 = tpu.memref_slice %arg2[%squeeze3A_80, %dma_start3A_91] : memref<100000x64xf32, #tpu.memory_space<hbm>> -> memref<1x64xf32, #tpu.memory_space<hbm>>
      tpu.enqueue_dma source(%dma_start3A_92 : memref<1x64xf32, #tpu.memory_space<hbm>>) target(%dma_start3A_90 : memref<1x64xf32, #tpu.memory_space<vmem>>) target_semaphore(%arg9 : memref<!tpu.dma_semaphore, #tpu.memory_space<semaphore_mem>>)
      %slice3A_93 = vector.extract_strided_slice %get3A_53 {offsets = [3], sizes = [1], strides = [1]} : vector<16xi32> to vector<1xi32>
      %squeeze3A_94 = vector.extract %slice3A_93[0] : i32 from vector<1xi32>
      %mul3A_95 = arith.constant 16 : i32
      %mul3A_96 = arith.muli %scan3A_29, %mul3A_95 : i32
      %add3A_97 = arith.constant 3 : i32
      %add3A_98 = arith.addi %mul3A_96, %add3A_97 : i32
      %dma_start3A_99 = arith.constant 0 : i32
      %dma_start3A_100 = tpu.memref_slice %arg8[%add3A_98, %dma_start3A_99] : memref<512x64xf32, #tpu.memory_space<vmem>> -> memref<1x64xf32, #tpu.memory_space<vmem>>
      %dma_start3A_101 = arith.constant 0 : i32
      %dma_start3A_102 = tpu.memref_slice %arg2[%squeeze3A_94, %dma_start3A_101] : memref<100000x64xf32, #tpu.memory_space<hbm>> -> memref<1x64xf32, #tpu.memory_space<hbm>>
      %dma_start3A_103 = arith.constant 0 : i32
      %dma_start3A_104 = tpu.memref_slice %arg8[%add3A_98, %dma_start3A_103] : memref<512x64xf32, #tpu.memory_space<vmem>> -> memref<1x64xf32, #tpu.memory_space<vmem>>
      %dma_start3A_105 = arith.constant 0 : i32
      %dma_start3A_106 = tpu.memref_slice %arg2[%squeeze3A_94, %dma_start3A_105] : memref<100000x64xf32, #tpu.memory_space<hbm>> -> memref<1x64xf32, #tpu.memory_space<hbm>>
      tpu.enqueue_dma source(%dma_start3A_106 : memref<1x64xf32, #tpu.memory_space<hbm>>) target(%dma_start3A_104 : memref<1x64xf32, #tpu.memory_space<vmem>>) target_semaphore(%arg9 : memref<!tpu.dma_semaphore, #tpu.memory_space<semaphore_mem>>)
      %slice3A_107 = vector.extract_strided_slice %get3A_53 {offsets = [4], sizes = [1], strides = [1]} : vector<16xi32> to vector<1xi32>
      %squeeze3A_108 = vector.extract %slice3A_107[0] : i32 from vector<1xi32>
      %mul3A_109 = arith.constant 16 : i32
      %mul3A_110 = arith.muli %scan3A_29, %mul3A_109 : i32
      %add3A_111 = arith.constant 4 : i32
      %add3A_112 = arith.addi %mul3A_110, %add3A_111 : i32
      %dma_start3A_113 = arith.constant 0 : i32
      %dma_start3A_114 = tpu.memref_slice %arg8[%add3A_112, %dma_start3A_113] : memref<512x64xf32, #tpu.memory_space<vmem>> -> memref<1x64xf32, #tpu.memory_space<vmem>>
      %dma_start3A_115 = arith.constant 0 : i32
      %dma_start3A_116 = tpu.memref_slice %arg2[%squeeze3A_108, %dma_start3A_115] : memref<100000x64xf32, #tpu.memory_space<hbm>> -> memref<1x64xf32, #tpu.memory_space<hbm>>
      %dma_start3A_117 = arith.constant 0 : i32
      %dma_start3A_118 = tpu.memref_slice %arg8[%add3A_112, %dma_start3A_117] : memref<512x64xf32, #tpu.memory_space<vmem>> -> memref<1x64xf32, #tpu.memory_space<vmem>>
      %dma_start3A_119 = arith.constant 0 : i32
      %dma_start3A_120 = tpu.memref_slice %arg2[%squeeze3A_108, %dma_start3A_119] : memref<100000x64xf32, #tpu.memory_space<hbm>> -> memref<1x64xf32, #tpu.memory_space<hbm>>
      tpu.enqueue_dma source(%dma_start3A_120 : memref<1x64xf32, #tpu.memory_space<hbm>>) target(%dma_start3A_118 : memref<1x64xf32, #tpu.memory_space<vmem>>) target_semaphore(%arg9 : memref<!tpu.dma_semaphore, #tpu.memory_space<semaphore_mem>>)
      %slice3A_121 = vector.extract_strided_slice %get3A_53 {offsets = [5], sizes = [1], strides = [1]} : vector<16xi32> to vector<1xi32>
      %squeeze3A_122 = vector.extract %slice3A_121[0] : i32 from vector<1xi32>
      %mul3A_123 = arith.constant 16 : i32
      %mul3A_124 = arith.muli %scan3A_29, %mul3A_123 : i32
      %add3A_125 = arith.constant 5 : i32
      %add3A_126 = arith.addi %mul3A_124, %add3A_125 : i32
      %dma_start3A_127 = arith.constant 0 : i32
      %dma_start3A_128 = tpu.memref_slice %arg8[%add3A_126, %dma_start3A_127] : memref<512x64xf32, #tpu.memory_space<vmem>> -> memref<1x64xf32, #tpu.memory_space<vmem>>
      %dma_start3A_129 = arith.constant 0 : i32
      %dma_start3A_130 = tpu.memref_slice %arg2[%squeeze3A_122, %dma_start3A_129] : memref<100000x64xf32, #tpu.memory_space<hbm>> -> memref<1x64xf32, #tpu.memory_space<hbm>>
      %dma_start3A_131 = arith.constant 0 : i32
      %dma_start3A_132 = tpu.memref_slice %arg8[%add3A_126, %dma_start3A_131] : memref<512x64xf32, #tpu.memory_space<vmem>> -> memref<1x64xf32, #tpu.memory_space<vmem>>
      %dma_start3A_133 = arith.constant 0 : i32
      %dma_start3A_134 = tpu.memref_slice %arg2[%squeeze3A_122, %dma_start3A_133] : memref<100000x64xf32, #tpu.memory_space<hbm>> -> memref<1x64xf32, #tpu.memory_space<hbm>>
      tpu.enqueue_dma source(%dma_start3A_134 : memref<1x64xf32, #tpu.memory_space<hbm>>) target(%dma_start3A_132 : memref<1x64xf32, #tpu.memory_space<vmem>>) target_semaphore(%arg9 : memref<!tpu.dma_semaphore, #tpu.memory_space<semaphore_mem>>)
      %slice3A_135 = vector.extract_strided_slice %get3A_53 {offsets = [6], sizes = [1], strides = [1]} : vector<16xi32> to vector<1xi32>
      %squeeze3A_136 = vector.extract %slice3A_135[0] : i32 from vector<1xi32>
      %mul3A_137 = arith.constant 16 : i32
      %mul3A_138 = arith.muli %scan3A_29, %mul3A_137 : i32
      %add3A_139 = arith.constant 6 : i32
      %add3A_140 = arith.addi %mul3A_138, %add3A_139 : i32
      %dma_start3A_141 = arith.constant 0 : i32
      %dma_start3A_142 = tpu.memref_slice %arg8[%add3A_140, %dma_start3A_141] : memref<512x64xf32, #tpu.memory_space<vmem>> -> memref<1x64xf32, #tpu.memory_space<vmem>>
      %dma_start3A_143 = arith.constant 0 : i32
      %dma_start3A_144 = tpu.memref_slice %arg2[%squeeze3A_136, %dma_start3A_143] : memref<100000x64xf32, #tpu.memory_space<hbm>> -> memref<1x64xf32, #tpu.memory_space<hbm>>
      %dma_start3A_145 = arith.constant 0 : i32
      %dma_start3A_146 = tpu.memref_slice %arg8[%add3A_140, %dma_start3A_145] : memref<512x64xf32, #tpu.memory_space<vmem>> -> memref<1x64xf32, #tpu.memory_space<vmem>>
      %dma_start3A_147 = arith.constant 0 : i32
      %dma_start3A_148 = tpu.memref_slice %arg2[%squeeze3A_136, %dma_start3A_147] : memref<100000x64xf32, #tpu.memory_space<hbm>> -> memref<1x64xf32, #tpu.memory_space<hbm>>
      tpu.enqueue_dma source(%dma_start3A_148 : memref<1x64xf32, #tpu.memory_space<hbm>>) target(%dma_start3A_146 : memref<1x64xf32, #tpu.memory_space<vmem>>) target_semaphore(%arg9 : memref<!tpu.dma_semaphore, #tpu.memory_space<semaphore_mem>>)
      %slice3A_149 = vector.extract_strided_slice %get3A_53 {offsets = [7], sizes = [1], strides = [1]} : vector<16xi32> to vector<1xi32>
      %squeeze3A_150 = vector.extract %slice3A_149[0] : i32 from vector<1xi32>
      %mul3A_151 = arith.constant 16 : i32
      %mul3A_152 = arith.muli %scan3A_29, %mul3A_151 : i32
      %add3A_153 = arith.constant 7 : i32
      %add3A_154 = arith.addi %mul3A_152, %add3A_153 : i32
      %dma_start3A_155 = arith.constant 0 : i32
      %dma_start3A_156 = tpu.memref_slice %arg8[%add3A_154, %dma_start3A_155] : memref<512x64xf32, #tpu.memory_space<vmem>> -> memref<1x64xf32, #tpu.memory_space<vmem>>
      %dma_start3A_157 = arith.constant 0 : i32
      %dma_start3A_158 = tpu.memref_slice %arg2[%squeeze3A_150, %dma_start3A_157] : memref<100000x64xf32, #tpu.memory_space<hbm>> -> memref<1x64xf32, #tpu.memory_space<hbm>>
      %dma_start3A_159 = arith.constant 0 : i32
      %dma_start3A_160 = tpu.memref_slice %arg8[%add3A_154, %dma_start3A_159] : memref<512x64xf32, #tpu.memory_space<vmem>> -> memref<1x64xf32, #tpu.memory_space<vmem>>
      %dma_start3A_161 = arith.constant 0 : i32
      %dma_start3A_162 = tpu.memref_slice %arg2[%squeeze3A_150, %dma_start3A_161] : memref<100000x64xf32, #tpu.memory_space<hbm>> -> memref<1x64xf32, #tpu.memory_space<hbm>>
      tpu.enqueue_dma source(%dma_start3A_162 : memref<1x64xf32, #tpu.memory_space<hbm>>) target(%dma_start3A_160 : memref<1x64xf32, #tpu.memory_space<vmem>>) target_semaphore(%arg9 : memref<!tpu.dma_semaphore, #tpu.memory_space<semaphore_mem>>)
      %slice3A_163 = vector.extract_strided_slice %get3A_53 {offsets = [8], sizes = [1], strides = [1]} : vector<16xi32> to vector<1xi32>
      %squeeze3A_164 = vector.extract %slice3A_163[0] : i32 from vector<1xi32>
      %mul3A_165 = arith.constant 16 : i32
      %mul3A_166 = arith.muli %scan3A_29, %mul3A_165 : i32
      %add3A_167 = arith.constant 8 : i32
      %add3A_168 = arith.addi %mul3A_166, %add3A_167 : i32
      %dma_start3A_169 = arith.constant 0 : i32
      %dma_start3A_170 = tpu.memref_slice %arg8[%add3A_168, %dma_start3A_169] : memref<512x64xf32, #tpu.memory_space<vmem>> -> memref<1x64xf32, #tpu.memory_space<vmem>>
      %dma_start3A_171 = arith.constant 0 : i32
      %dma_start3A_172 = tpu.memref_slice %arg2[%squeeze3A_164, %dma_start3A_171] : memref<100000x64xf32, #tpu.memory_space<hbm>> -> memref<1x64xf32, #tpu.memory_space<hbm>>
      %dma_start3A_173 = arith.constant 0 : i32
      %dma_start3A_174 = tpu.memref_slice %arg8[%add3A_168, %dma_start3A_173] : memref<512x64xf32, #tpu.memory_space<vmem>> -> memref<1x64xf32, #tpu.memory_space<vmem>>
      %dma_start3A_175 = arith.constant 0 : i32
      %dma_start3A_176 = tpu.memref_slice %arg2[%squeeze3A_164, %dma_start3A_175] : memref<100000x64xf32, #tpu.memory_space<hbm>> -> memref<1x64xf32, #tpu.memory_space<hbm>>
      tpu.enqueue_dma source(%dma_start3A_176 : memref<1x64xf32, #tpu.memory_space<hbm>>) target(%dma_start3A_174 : memref<1x64xf32, #tpu.memory_space<vmem>>) target_semaphore(%arg9 : memref<!tpu.dma_semaphore, #tpu.memory_space<semaphore_mem>>)
      %slice3A_177 = vector.extract_strided_slice %get3A_53 {offsets = [9], sizes = [1], strides = [1]} : vector<16xi32> to vector<1xi32>
      %squeeze3A_178 = vector.extract %slice3A_177[0] : i32 from vector<1xi32>
      %mul3A_179 = arith.constant 16 : i32
      %mul3A_180 = arith.muli %scan3A_29, %mul3A_179 : i32
      %add3A_181 = arith.constant 9 : i32
      %add3A_182 = arith.addi %mul3A_180, %add3A_181 : i32
      %dma_start3A_183 = arith.constant 0 : i32
      %dma_start3A_184 = tpu.memref_slice %arg8[%add3A_182, %dma_start3A_183] : memref<512x64xf32, #tpu.memory_space<vmem>> -> memref<1x64xf32, #tpu.memory_space<vmem>>
      %dma_start3A_185 = arith.constant 0 : i32
      %dma_start3A_186 = tpu.memref_slice %arg2[%squeeze3A_178, %dma_start3A_185] : memref<100000x64xf32, #tpu.memory_space<hbm>> -> memref<1x64xf32, #tpu.memory_space<hbm>>
      %dma_start3A_187 = arith.constant 0 : i32
      %dma_start3A_188 = tpu.memref_slice %arg8[%add3A_182, %dma_start3A_187] : memref<512x64xf32, #tpu.memory_space<vmem>> -> memref<1x64xf32, #tpu.memory_space<vmem>>
      %dma_start3A_189 = arith.constant 0 : i32
      %dma_start3A_190 = tpu.memref_slice %arg2[%squeeze3A_178, %dma_start3A_189] : memref<100000x64xf32, #tpu.memory_space<hbm>> -> memref<1x64xf32, #tpu.memory_space<hbm>>
      tpu.enqueue_dma source(%dma_start3A_190 : memref<1x64xf32, #tpu.memory_space<hbm>>) target(%dma_start3A_188 : memref<1x64xf32, #tpu.memory_space<vmem>>) target_semaphore(%arg9 : memref<!tpu.dma_semaphore, #tpu.memory_space<semaphore_mem>>)
      %slice3A_191 = vector.extract_strided_slice %get3A_53 {offsets = [10], sizes = [1], strides = [1]} : vector<16xi32> to vector<1xi32>
      %squeeze3A_192 = vector.extract %slice3A_191[0] : i32 from vector<1xi32>
      %mul3A_193 = arith.constant 16 : i32
      %mul3A_194 = arith.muli %scan3A_29, %mul3A_193 : i32
      %add3A_195 = arith.constant 10 : i32
      %add3A_196 = arith.addi %mul3A_194, %add3A_195 : i32
      %dma_start3A_197 = arith.constant 0 : i32
      %dma_start3A_198 = tpu.memref_slice %arg8[%add3A_196, %dma_start3A_197] : memref<512x64xf32, #tpu.memory_space<vmem>> -> memref<1x64xf32, #tpu.memory_space<vmem>>
      %dma_start3A_199 = arith.constant 0 : i32
      %dma_start3A_200 = tpu.memref_slice %arg2[%squeeze3A_192, %dma_start3A_199] : memref<100000x64xf32, #tpu.memory_space<hbm>> -> memref<1x64xf32, #tpu.memory_space<hbm>>
      %dma_start3A_201 = arith.constant 0 : i32
      %dma_start3A_202 = tpu.memref_slice %arg8[%add3A_196, %dma_start3A_201] : memref<512x64xf32, #tpu.memory_space<vmem>> -> memref<1x64xf32, #tpu.memory_space<vmem>>
      %dma_start3A_203 = arith.constant 0 : i32
      %dma_start3A_204 = tpu.memref_slice %arg2[%squeeze3A_192, %dma_start3A_203] : memref<100000x64xf32, #tpu.memory_space<hbm>> -> memref<1x64xf32, #tpu.memory_space<hbm>>
      tpu.enqueue_dma source(%dma_start3A_204 : memref<1x64xf32, #tpu.memory_space<hbm>>) target(%dma_start3A_202 : memref<1x64xf32, #tpu.memory_space<vmem>>) target_semaphore(%arg9 : memref<!tpu.dma_semaphore, #tpu.memory_space<semaphore_mem>>)
      %slice3A_205 = vector.extract_strided_slice %get3A_53 {offsets = [11], sizes = [1], strides = [1]} : vector<16xi32> to vector<1xi32>
      %squeeze3A_206 = vector.extract %slice3A_205[0] : i32 from vector<1xi32>
      %mul3A_207 = arith.constant 16 : i32
      %mul3A_208 = arith.muli %scan3A_29, %mul3A_207 : i32
      %add3A_209 = arith.constant 11 : i32
      %add3A_210 = arith.addi %mul3A_208, %add3A_209 : i32
      %dma_start3A_211 = arith.constant 0 : i32
      %dma_start3A_212 = tpu.memref_slice %arg8[%add3A_210, %dma_start3A_211] : memref<512x64xf32, #tpu.memory_space<vmem>> -> memref<1x64xf32, #tpu.memory_space<vmem>>
      %dma_start3A_213 = arith.constant 0 : i32
      %dma_start3A_214 = tpu.memref_slice %arg2[%squeeze3A_206, %dma_start3A_213] : memref<100000x64xf32, #tpu.memory_space<hbm>> -> memref<1x64xf32, #tpu.memory_space<hbm>>
      %dma_start3A_215 = arith.constant 0 : i32
      %dma_start3A_216 = tpu.memref_slice %arg8[%add3A_210, %dma_start3A_215] : memref<512x64xf32, #tpu.memory_space<vmem>> -> memref<1x64xf32, #tpu.memory_space<vmem>>
      %dma_start3A_217 = arith.constant 0 : i32
      %dma_start3A_218 = tpu.memref_slice %arg2[%squeeze3A_206, %dma_start3A_217] : memref<100000x64xf32, #tpu.memory_space<hbm>> -> memref<1x64xf32, #tpu.memory_space<hbm>>
      tpu.enqueue_dma source(%dma_start3A_218 : memref<1x64xf32, #tpu.memory_space<hbm>>) target(%dma_start3A_216 : memref<1x64xf32, #tpu.memory_space<vmem>>) target_semaphore(%arg9 : memref<!tpu.dma_semaphore, #tpu.memory_space<semaphore_mem>>)
      %slice3A_219 = vector.extract_strided_slice %get3A_53 {offsets = [12], sizes = [1], strides = [1]} : vector<16xi32> to vector<1xi32>
      %squeeze3A_220 = vector.extract %slice3A_219[0] : i32 from vector<1xi32>
      %mul3A_221 = arith.constant 16 : i32
      %mul3A_222 = arith.muli %scan3A_29, %mul3A_221 : i32
      %add3A_223 = arith.constant 12 : i32
      %add3A_224 = arith.addi %mul3A_222, %add3A_223 : i32
      %dma_start3A_225 = arith.constant 0 : i32
      %dma_start3A_226 = tpu.memref_slice %arg8[%add3A_224, %dma_start3A_225] : memref<512x64xf32, #tpu.memory_space<vmem>> -> memref<1x64xf32, #tpu.memory_space<vmem>>
      %dma_start3A_227 = arith.constant 0 : i32
      %dma_start3A_228 = tpu.memref_slice %arg2[%squeeze3A_220, %dma_start3A_227] : memref<100000x64xf32, #tpu.memory_space<hbm>> -> memref<1x64xf32, #tpu.memory_space<hbm>>
      %dma_start3A_229 = arith.constant 0 : i32
      %dma_start3A_230 = tpu.memref_slice %arg8[%add3A_224, %dma_start3A_229] : memref<512x64xf32, #tpu.memory_space<vmem>> -> memref<1x64xf32, #tpu.memory_space<vmem>>
      %dma_start3A_231 = arith.constant 0 : i32
      %dma_start3A_232 = tpu.memref_slice %arg2[%squeeze3A_220, %dma_start3A_231] : memref<100000x64xf32, #tpu.memory_space<hbm>> -> memref<1x64xf32, #tpu.memory_space<hbm>>
      tpu.enqueue_dma source(%dma_start3A_232 : memref<1x64xf32, #tpu.memory_space<hbm>>) target(%dma_start3A_230 : memref<1x64xf32, #tpu.memory_space<vmem>>) target_semaphore(%arg9 : memref<!tpu.dma_semaphore, #tpu.memory_space<semaphore_mem>>)
      %slice3A_233 = vector.extract_strided_slice %get3A_53 {offsets = [13], sizes = [1], strides = [1]} : vector<16xi32> to vector<1xi32>
      %squeeze3A_234 = vector.extract %slice3A_233[0] : i32 from vector<1xi32>
      %mul3A_235 = arith.constant 16 : i32
      %mul3A_236 = arith.muli %scan3A_29, %mul3A_235 : i32
      %add3A_237 = arith.constant 13 : i32
      %add3A_238 = arith.addi %mul3A_236, %add3A_237 : i32
      %dma_start3A_239 = arith.constant 0 : i32
      %dma_start3A_240 = tpu.memref_slice %arg8[%add3A_238, %dma_start3A_239] : memref<512x64xf32, #tpu.memory_space<vmem>> -> memref<1x64xf32, #tpu.memory_space<vmem>>
      %dma_start3A_241 = arith.constant 0 : i32
      %dma_start3A_242 = tpu.memref_slice %arg2[%squeeze3A_234, %dma_start3A_241] : memref<100000x64xf32, #tpu.memory_space<hbm>> -> memref<1x64xf32, #tpu.memory_space<hbm>>
      %dma_start3A_243 = arith.constant 0 : i32
      %dma_start3A_244 = tpu.memref_slice %arg8[%add3A_238, %dma_start3A_243] : memref<512x64xf32, #tpu.memory_space<vmem>> -> memref<1x64xf32, #tpu.memory_space<vmem>>
      %dma_start3A_245 = arith.constant 0 : i32
      %dma_start3A_246 = tpu.memref_slice %arg2[%squeeze3A_234, %dma_start3A_245] : memref<100000x64xf32, #tpu.memory_space<hbm>> -> memref<1x64xf32, #tpu.memory_space<hbm>>
      tpu.enqueue_dma source(%dma_start3A_246 : memref<1x64xf32, #tpu.memory_space<hbm>>) target(%dma_start3A_244 : memref<1x64xf32, #tpu.memory_space<vmem>>) target_semaphore(%arg9 : memref<!tpu.dma_semaphore, #tpu.memory_space<semaphore_mem>>)
      %slice3A_247 = vector.extract_strided_slice %get3A_53 {offsets = [14], sizes = [1], strides = [1]} : vector<16xi32> to vector<1xi32>
      %squeeze3A_248 = vector.extract %slice3A_247[0] : i32 from vector<1xi32>
      %mul3A_249 = arith.constant 16 : i32
      %mul3A_250 = arith.muli %scan3A_29, %mul3A_249 : i32
      %add3A_251 = arith.constant 14 : i32
      %add3A_252 = arith.addi %mul3A_250, %add3A_251 : i32
      %dma_start3A_253 = arith.constant 0 : i32
      %dma_start3A_254 = tpu.memref_slice %arg8[%add3A_252, %dma_start3A_253] : memref<512x64xf32, #tpu.memory_space<vmem>> -> memref<1x64xf32, #tpu.memory_space<vmem>>
      %dma_start3A_255 = arith.constant 0 : i32
      %dma_start3A_256 = tpu.memref_slice %arg2[%squeeze3A_248, %dma_start3A_255] : memref<100000x64xf32, #tpu.memory_space<hbm>> -> memref<1x64xf32, #tpu.memory_space<hbm>>
      %dma_start3A_257 = arith.constant 0 : i32
      %dma_start3A_258 = tpu.memref_slice %arg8[%add3A_252, %dma_start3A_257] : memref<512x64xf32, #tpu.memory_space<vmem>> -> memref<1x64xf32, #tpu.memory_space<vmem>>
      %dma_start3A_259 = arith.constant 0 : i32
      %dma_start3A_260 = tpu.memref_slice %arg2[%squeeze3A_248, %dma_start3A_259] : memref<100000x64xf32, #tpu.memory_space<hbm>> -> memref<1x64xf32, #tpu.memory_space<hbm>>
      tpu.enqueue_dma source(%dma_start3A_260 : memref<1x64xf32, #tpu.memory_space<hbm>>) target(%dma_start3A_258 : memref<1x64xf32, #tpu.memory_space<vmem>>) target_semaphore(%arg9 : memref<!tpu.dma_semaphore, #tpu.memory_space<semaphore_mem>>)
      %slice3A_261 = vector.extract_strided_slice %get3A_53 {offsets = [15], sizes = [1], strides = [1]} : vector<16xi32> to vector<1xi32>
      %squeeze3A_262 = vector.extract %slice3A_261[0] : i32 from vector<1xi32>
      %mul3A_263 = arith.constant 16 : i32
      %mul3A_264 = arith.muli %scan3A_29, %mul3A_263 : i32
      %add3A_265 = arith.constant 15 : i32
      %add3A_266 = arith.addi %mul3A_264, %add3A_265 : i32
      %dma_start3A_267 = arith.constant 0 : i32
      %dma_start3A_268 = tpu.memref_slice %arg8[%add3A_266, %dma_start3A_267] : memref<512x64xf32, #tpu.memory_space<vmem>> -> memref<1x64xf32, #tpu.memory_space<vmem>>
      %dma_start3A_269 = arith.constant 0 : i32
      %dma_start3A_270 = tpu.memref_slice %arg2[%squeeze3A_262, %dma_start3A_269] : memref<100000x64xf32, #tpu.memory_space<hbm>> -> memref<1x64xf32, #tpu.memory_space<hbm>>
      %dma_start3A_271 = arith.constant 0 : i32
      %dma_start3A_272 = tpu.memref_slice %arg8[%add3A_266, %dma_start3A_271] : memref<512x64xf32, #tpu.memory_space<vmem>> -> memref<1x64xf32, #tpu.memory_space<vmem>>
      %dma_start3A_273 = arith.constant 0 : i32
      %dma_start3A_274 = tpu.memref_slice %arg2[%squeeze3A_262, %dma_start3A_273] : memref<100000x64xf32, #tpu.memory_space<hbm>> -> memref<1x64xf32, #tpu.memory_space<hbm>>
      tpu.enqueue_dma source(%dma_start3A_274 : memref<1x64xf32, #tpu.memory_space<hbm>>) target(%dma_start3A_272 : memref<1x64xf32, #tpu.memory_space<vmem>>) target_semaphore(%arg9 : memref<!tpu.dma_semaphore, #tpu.memory_space<semaphore_mem>>)
    }
    %scan3A_20 = arith.constant 32 : i32
    %dma_wait3A_21 = arith.constant 0 : i32
    %dma_wait3A_22 = arith.constant 0 : i32
    %dma_wait3A_23 = tpu.memref_slice %arg2[%dma_wait3A_21, %dma_wait3A_22] : memref<100000x64xf32, #tpu.memory_space<hbm>> -> memref<512x64xf32, #tpu.memory_space<hbm>>
    %dma_wait3A_24 = arith.constant 0 : i32
    %dma_wait3A_25 = arith.constant 0 : i32
    %dma_wait3A_26 = tpu.memref_slice %arg2[%dma_wait3A_24, %dma_wait3A_25] : memref<100000x64xf32, #tpu.memory_space<hbm>> -> memref<512x64xf32, #tpu.memory_space<hbm>>
    tpu.wait_dma2 semaphore(%arg9 : memref<!tpu.dma_semaphore, #tpu.memory_space<semaphore_mem>>) src(%dma_wait3A_26 : memref<512x64xf32, #tpu.memory_space<hbm>>) dst(%arg8 : memref<512x64xf32, #tpu.memory_space<vmem>>)
    %mul3A_27 = arith.constant 128 : i32
    %mul3A_28 = arith.muli %mul3A_2, %mul3A_27 : i32
    "tpu.region"() ({
      %run_scoped3A = tpu.sem_alloc : memref<!tpu.dma_semaphore, #tpu.memory_space<semaphore_mem>>
      %dma_start3A = arith.constant 0 : i32
      %dma_start3A_29 = tpu.memref_slice %arg6[%mul3A_28, %dma_start3A] : memref<16384x64xf32, #tpu.memory_space<hbm>> -> memref<512x64xf32, #tpu.memory_space<hbm>>
      %dma_start3A_30 = arith.constant 0 : i32
      %dma_start3A_31 = tpu.memref_slice %arg6[%mul3A_28, %dma_start3A_30] : memref<16384x64xf32, #tpu.memory_space<hbm>> -> memref<512x64xf32, #tpu.memory_space<hbm>>
      tpu.enqueue_dma source(%arg8 : memref<512x64xf32, #tpu.memory_space<vmem>>) target(%dma_start3A_31 : memref<512x64xf32, #tpu.memory_space<hbm>>) target_semaphore(%run_scoped3A : memref<!tpu.dma_semaphore, #tpu.memory_space<semaphore_mem>>)
      %dma_wait3A_32 = arith.constant 0 : i32
      %dma_wait3A_33 = tpu.memref_slice %arg6[%mul3A_28, %dma_wait3A_32] : memref<16384x64xf32, #tpu.memory_space<hbm>> -> memref<512x64xf32, #tpu.memory_space<hbm>>
      %dma_wait3A_34 = arith.constant 0 : i32
      %dma_wait3A_35 = tpu.memref_slice %arg6[%mul3A_28, %dma_wait3A_34] : memref<16384x64xf32, #tpu.memory_space<hbm>> -> memref<512x64xf32, #tpu.memory_space<hbm>>
      tpu.wait_dma2 semaphore(%run_scoped3A : memref<!tpu.dma_semaphore, #tpu.memory_space<semaphore_mem>>) src(%arg8 : memref<512x64xf32, #tpu.memory_space<vmem>>) dst(%dma_wait3A_35 : memref<512x64xf32, #tpu.memory_space<hbm>>)
      tpu.yield
    }) : () -> ()
    return
  }
}

module attributes {stable_mosaic.version = 14 : i64} {
  func.func @_tc_body(%arg0: i32, %arg1: memref<2048x64xf32, #tpu.memory_space<vmem>>, %arg2: memref<2048x64xf32, #tpu.memory_space<vmem>>, %arg3: memref<2048x64xf32, #tpu.memory_space<vmem>>, %arg4: memref<64x64xf32, #tpu.memory_space<vmem>>, %arg5: memref<1x64xf32, #tpu.memory_space<vmem>>, %arg6: memref<64x64xf32, #tpu.memory_space<vmem>>, %arg7: memref<1x64xf32, #tpu.memory_space<vmem>>, %arg8: memref<64x64xf32, #tpu.memory_space<vmem>>, %arg9: memref<1x64xf32, #tpu.memory_space<vmem>>, %arg10: memref<16x128xf32, #tpu.memory_space<vmem>>) attributes {dimension_semantics = [#tpu.dimension_semantics<arbitrary>], iteration_bounds = array<i64: 8>, scalar_prefetch = 0 : i64, scratch_operands = 0 : i64, tpu.core_type = #tpu.core_type<tc>, window_params = [{transform_indices = @transform_0, window_bounds = array<i64: 2048, 64>}, {transform_indices = @transform_1, window_bounds = array<i64: 2048, 64>}, {transform_indices = @transform_2, window_bounds = array<i64: 2048, 64>}, {pipeline_mode = #tpu.pipeline_mode<synchronous>, transform_indices = @transform_3, window_bounds = array<i64: 64, 64>}, {pipeline_mode = #tpu.pipeline_mode<synchronous>, transform_indices = @transform_4, window_bounds = array<i64: 1, 64>}, {pipeline_mode = #tpu.pipeline_mode<synchronous>, transform_indices = @transform_5, window_bounds = array<i64: 64, 64>}, {pipeline_mode = #tpu.pipeline_mode<synchronous>, transform_indices = @transform_6, window_bounds = array<i64: 1, 64>}, {pipeline_mode = #tpu.pipeline_mode<synchronous>, transform_indices = @transform_7, window_bounds = array<i64: 64, 64>}, {pipeline_mode = #tpu.pipeline_mode<synchronous>, transform_indices = @transform_8, window_bounds = array<i64: 1, 64>}, {transform_indices = @transform_9, window_bounds = array<i64: 16, 128>}]} {
    %get3A = arith.constant 0 : index
    %get3A_0 = arith.constant 0 : index
    %get3A_1 = vector.load %arg1[%get3A, %get3A_0] : memref<2048x64xf32, #tpu.memory_space<vmem>>, vector<2048x64xf32>
    %get3A_2 = arith.constant 0 : index
    %get3A_3 = arith.constant 0 : index
    %get3A_4 = vector.load %arg2[%get3A_2, %get3A_3] : memref<2048x64xf32, #tpu.memory_space<vmem>>, vector<2048x64xf32>
    %get3A_5 = arith.constant 0 : index
    %get3A_6 = arith.constant 0 : index
    %get3A_7 = vector.load %arg3[%get3A_5, %get3A_6] : memref<2048x64xf32, #tpu.memory_space<vmem>>, vector<2048x64xf32>
    %sub3A = arith.subf %get3A_4, %get3A_7 : vector<2048x64xf32>
    %mul3A = arith.mulf %get3A_1, %sub3A : vector<2048x64xf32>
    %reduce_sum3A = arith.constant dense<0.000000e+00> : vector<2048xf32>
    %reduce_sum3A_8 = vector.multi_reduction <add>, %mul3A, %reduce_sum3A [1] : vector<2048x64xf32> to vector<2048xf32>
    %broadcast_in_dim3A = vector.shape_cast %reduce_sum3A_8 : vector<2048xf32> to vector<2048x1xf32>
    %concatenate3A = tpu.concatenate %get3A_1, %get3A_4, %get3A_7 in 0 : vector<2048x64xf32>, vector<2048x64xf32>, vector<2048x64xf32> -> vector<6144x64xf32>
    %convert_element_type3A = arith.truncf %concatenate3A : vector<6144x64xf32> to vector<6144x64xbf16>
    %get3A_9 = arith.constant 0 : index
    %get3A_10 = arith.constant 0 : index
    %get3A_11 = vector.load %arg4[%get3A_9, %get3A_10] : memref<64x64xf32, #tpu.memory_space<vmem>>, vector<64x64xf32>
    %convert_element_type3A_12 = arith.truncf %get3A_11 : vector<64x64xf32> to vector<64x64xbf16>
    %get3A_13 = arith.constant 0 : index
    %get3A_14 = arith.constant 0 : index
    %get3A_15 = vector.load %arg5[%get3A_13, %get3A_14] : memref<1x64xf32, #tpu.memory_space<vmem>>, vector<1x64xf32>
    %dot_general3A = arith.constant dense<0.000000e+00> : vector<6144x64xf32>
    %dot_general3A_16 = tpu.matmul %convert_element_type3A, %convert_element_type3A_12, %dot_general3A {dimension_numbers = #tpu.dot_dimension_numbers<[1], [0], [0], [1], [0, 0, 1, 1], [], []>, transpose_lhs_hint = false} : vector<6144x64xbf16>, vector<64x64xbf16>, vector<6144x64xf32> -> vector<6144x64xf32>
    %add3A = vector.broadcast %get3A_15 : vector<1x64xf32> to vector<6144x64xf32>
    %add3A_17 = arith.addf %dot_general3A_16, %add3A : vector<6144x64xf32>
    %mul3A_18 = arith.constant 3.000000e-01 : f32
    %mul3A_19 = vector.broadcast %mul3A_18 : f32 to vector<6144x64xf32>
    %mul3A_20 = arith.mulf %mul3A_19, %add3A_17 : vector<6144x64xf32>
    %max3A = arith.maximumf %add3A_17, %mul3A_20 : vector<6144x64xf32>
    %convert_element_type3A_21 = arith.truncf %max3A : vector<6144x64xf32> to vector<6144x64xbf16>
    %slice3A = vector.extract_strided_slice %max3A {offsets = [0, 0], sizes = [2048, 64], strides = [1, 1]} : vector<6144x64xf32> to vector<2048x64xf32>
    %slice3A_22 = vector.extract_strided_slice %max3A {offsets = [2048, 0], sizes = [2048, 64], strides = [1, 1]} : vector<6144x64xf32> to vector<2048x64xf32>
    %slice3A_23 = vector.extract_strided_slice %max3A {offsets = [4096, 0], sizes = [2048, 64], strides = [1, 1]} : vector<6144x64xf32> to vector<2048x64xf32>
    %sub3A_24 = arith.subf %slice3A_22, %slice3A_23 : vector<2048x64xf32>
    %mul3A_25 = arith.mulf %slice3A, %sub3A_24 : vector<2048x64xf32>
    %reduce_sum3A_26 = arith.constant dense<0.000000e+00> : vector<2048xf32>
    %reduce_sum3A_27 = vector.multi_reduction <add>, %mul3A_25, %reduce_sum3A_26 [1] : vector<2048x64xf32> to vector<2048xf32>
    %broadcast_in_dim3A_28 = vector.shape_cast %reduce_sum3A_27 : vector<2048xf32> to vector<2048x1xf32>
    %add3A_29 = arith.addf %broadcast_in_dim3A, %broadcast_in_dim3A_28 : vector<2048x1xf32>
    %get3A_30 = arith.constant 0 : index
    %get3A_31 = arith.constant 0 : index
    %get3A_32 = vector.load %arg6[%get3A_30, %get3A_31] : memref<64x64xf32, #tpu.memory_space<vmem>>, vector<64x64xf32>
    %convert_element_type3A_33 = arith.truncf %get3A_32 : vector<64x64xf32> to vector<64x64xbf16>
    %get3A_34 = arith.constant 0 : index
    %get3A_35 = arith.constant 0 : index
    %get3A_36 = vector.load %arg7[%get3A_34, %get3A_35] : memref<1x64xf32, #tpu.memory_space<vmem>>, vector<1x64xf32>
    %dot_general3A_37 = arith.constant dense<0.000000e+00> : vector<6144x64xf32>
    %dot_general3A_38 = tpu.matmul %convert_element_type3A_21, %convert_element_type3A_33, %dot_general3A_37 {dimension_numbers = #tpu.dot_dimension_numbers<[1], [0], [0], [1], [0, 0, 1, 1], [], []>, transpose_lhs_hint = false} : vector<6144x64xbf16>, vector<64x64xbf16>, vector<6144x64xf32> -> vector<6144x64xf32>
    %add3A_39 = vector.broadcast %get3A_36 : vector<1x64xf32> to vector<6144x64xf32>
    %add3A_40 = arith.addf %dot_general3A_38, %add3A_39 : vector<6144x64xf32>
    %mul3A_41 = arith.constant 3.000000e-01 : f32
    %mul3A_42 = vector.broadcast %mul3A_41 : f32 to vector<6144x64xf32>
    %mul3A_43 = arith.mulf %mul3A_42, %add3A_40 : vector<6144x64xf32>
    %max3A_44 = arith.maximumf %add3A_40, %mul3A_43 : vector<6144x64xf32>
    %convert_element_type3A_45 = arith.truncf %max3A_44 : vector<6144x64xf32> to vector<6144x64xbf16>
    %slice3A_46 = vector.extract_strided_slice %max3A_44 {offsets = [0, 0], sizes = [2048, 64], strides = [1, 1]} : vector<6144x64xf32> to vector<2048x64xf32>
    %slice3A_47 = vector.extract_strided_slice %max3A_44 {offsets = [2048, 0], sizes = [2048, 64], strides = [1, 1]} : vector<6144x64xf32> to vector<2048x64xf32>
    %slice3A_48 = vector.extract_strided_slice %max3A_44 {offsets = [4096, 0], sizes = [2048, 64], strides = [1, 1]} : vector<6144x64xf32> to vector<2048x64xf32>
    %sub3A_49 = arith.subf %slice3A_47, %slice3A_48 : vector<2048x64xf32>
    %mul3A_50 = arith.mulf %slice3A_46, %sub3A_49 : vector<2048x64xf32>
    %reduce_sum3A_51 = arith.constant dense<0.000000e+00> : vector<2048xf32>
    %reduce_sum3A_52 = vector.multi_reduction <add>, %mul3A_50, %reduce_sum3A_51 [1] : vector<2048x64xf32> to vector<2048xf32>
    %broadcast_in_dim3A_53 = vector.shape_cast %reduce_sum3A_52 : vector<2048xf32> to vector<2048x1xf32>
    %add3A_54 = arith.addf %add3A_29, %broadcast_in_dim3A_53 : vector<2048x1xf32>
    %get3A_55 = arith.constant 0 : index
    %get3A_56 = arith.constant 0 : index
    %get3A_57 = vector.load %arg8[%get3A_55, %get3A_56] : memref<64x64xf32, #tpu.memory_space<vmem>>, vector<64x64xf32>
    %convert_element_type3A_58 = arith.truncf %get3A_57 : vector<64x64xf32> to vector<64x64xbf16>
    %get3A_59 = arith.constant 0 : index
    %get3A_60 = arith.constant 0 : index
    %get3A_61 = vector.load %arg9[%get3A_59, %get3A_60] : memref<1x64xf32, #tpu.memory_space<vmem>>, vector<1x64xf32>
    %dot_general3A_62 = arith.constant dense<0.000000e+00> : vector<6144x64xf32>
    %dot_general3A_63 = tpu.matmul %convert_element_type3A_45, %convert_element_type3A_58, %dot_general3A_62 {dimension_numbers = #tpu.dot_dimension_numbers<[1], [0], [0], [1], [0, 0, 1, 1], [], []>, transpose_lhs_hint = false} : vector<6144x64xbf16>, vector<64x64xbf16>, vector<6144x64xf32> -> vector<6144x64xf32>
    %add3A_64 = vector.broadcast %get3A_61 : vector<1x64xf32> to vector<6144x64xf32>
    %add3A_65 = arith.addf %dot_general3A_63, %add3A_64 : vector<6144x64xf32>
    %mul3A_66 = arith.constant 3.000000e-01 : f32
    %mul3A_67 = vector.broadcast %mul3A_66 : f32 to vector<6144x64xf32>
    %mul3A_68 = arith.mulf %mul3A_67, %add3A_65 : vector<6144x64xf32>
    %max3A_69 = arith.maximumf %add3A_65, %mul3A_68 : vector<6144x64xf32>
    %slice3A_70 = vector.extract_strided_slice %max3A_69 {offsets = [0, 0], sizes = [2048, 64], strides = [1, 1]} : vector<6144x64xf32> to vector<2048x64xf32>
    %slice3A_71 = vector.extract_strided_slice %max3A_69 {offsets = [2048, 0], sizes = [2048, 64], strides = [1, 1]} : vector<6144x64xf32> to vector<2048x64xf32>
    %slice3A_72 = vector.extract_strided_slice %max3A_69 {offsets = [4096, 0], sizes = [2048, 64], strides = [1, 1]} : vector<6144x64xf32> to vector<2048x64xf32>
    %sub3A_73 = arith.subf %slice3A_71, %slice3A_72 : vector<2048x64xf32>
    %mul3A_74 = arith.mulf %slice3A_70, %sub3A_73 : vector<2048x64xf32>
    %reduce_sum3A_75 = arith.constant dense<0.000000e+00> : vector<2048xf32>
    %reduce_sum3A_76 = vector.multi_reduction <add>, %mul3A_74, %reduce_sum3A_75 [1] : vector<2048x64xf32> to vector<2048xf32>
    %broadcast_in_dim3A_77 = vector.shape_cast %reduce_sum3A_76 : vector<2048xf32> to vector<2048x1xf32>
    %add3A_78 = arith.addf %add3A_54, %broadcast_in_dim3A_77 : vector<2048x1xf32>
    %reshape3A = vector.shape_cast %add3A_78 : vector<2048x1xf32> to vector<16x128xf32>
    %swap3A = arith.constant 0 : index
    %swap3A_79 = arith.constant 0 : index
    %swap3A_80 = vector.load %arg10[%swap3A, %swap3A_79] : memref<16x128xf32, #tpu.memory_space<vmem>>, vector<16x128xf32>
    tpu.vector_store %arg10[%swap3A, %swap3A_79], %reshape3A {strides = array<i32>} : memref<16x128xf32, #tpu.memory_space<vmem>>, vector<16x128xf32>,
    return
  }
  func.func @transform_0(%arg0: i32) -> (i32, i32) {
    %c0_i32 = arith.constant 0 : i32
    %c0_i32_0 = arith.constant 0 : i32
    return %arg0, %c0_i32 : i32, i32
  }
  func.func @transform_1(%arg0: i32) -> (i32, i32) {
    %c0_i32 = arith.constant 0 : i32
    %c0_i32_0 = arith.constant 0 : i32
    return %arg0, %c0_i32 : i32, i32
  }
  func.func @transform_2(%arg0: i32) -> (i32, i32) {
    %c0_i32 = arith.constant 0 : i32
    %c0_i32_0 = arith.constant 0 : i32
    return %arg0, %c0_i32 : i32, i32
  }
  func.func @transform_3(%arg0: i32) -> (i32, i32) {
    %c0_i32 = arith.constant 0 : i32
    %c0_i32_0 = arith.constant 0 : i32
    %c0_i32_1 = arith.constant 0 : i32
    return %c0_i32, %c0_i32_0 : i32, i32
  }
  func.func @transform_4(%arg0: i32) -> (i32, i32) {
    %c0_i32 = arith.constant 0 : i32
    %c0_i32_0 = arith.constant 0 : i32
    %c0_i32_1 = arith.constant 0 : i32
    return %c0_i32, %c0_i32_0 : i32, i32
  }
  func.func @transform_5(%arg0: i32) -> (i32, i32) {
    %c0_i32 = arith.constant 0 : i32
    %c0_i32_0 = arith.constant 0 : i32
    %c0_i32_1 = arith.constant 0 : i32
    return %c0_i32, %c0_i32_0 : i32, i32
  }
  func.func @transform_6(%arg0: i32) -> (i32, i32) {
    %c0_i32 = arith.constant 0 : i32
    %c0_i32_0 = arith.constant 0 : i32
    %c0_i32_1 = arith.constant 0 : i32
    return %c0_i32, %c0_i32_0 : i32, i32
  }
  func.func @transform_7(%arg0: i32) -> (i32, i32) {
    %c0_i32 = arith.constant 0 : i32
    %c0_i32_0 = arith.constant 0 : i32
    %c0_i32_1 = arith.constant 0 : i32
    return %c0_i32, %c0_i32_0 : i32, i32
  }
  func.func @transform_8(%arg0: i32) -> (i32, i32) {
    %c0_i32 = arith.constant 0 : i32
    %c0_i32_0 = arith.constant 0 : i32
    %c0_i32_1 = arith.constant 0 : i32
    return %c0_i32, %c0_i32_0 : i32, i32
  }
  func.func @transform_9(%arg0: i32) -> (i32, i32) {
    %c0_i32 = arith.constant 0 : i32
    %c0_i32_0 = arith.constant 0 : i32
    return %arg0, %c0_i32 : i32, i32
  }
}

</mosaic_0001>

<sc_bundles>
// kernel: kernel.5.cloned.1.call-start
scs
__scs_entry_jumppad:
0x0: {  	(pc) =	sbr.rel $0x88, $3  }
0x1: {  	(tag) =	ssettag $0x0;
	lr =	simm.s32 $0x1  }
0x2: {  	[smem:$0x3F96] =	sst lr;
	_ =	strace $0xD0000000  }
0x3: {  	_ = 	snop  }
0x4: {  	_ = 	snop  }
0x5: {  	_ = 	snop  }
0x6: {  	_ = 	snop  }
0x7: {  	_ = 	snop  }
__scs_overlays_trampoline_lowered:
0x8: {  	[smem:$0x3FA5] =	sst s0  }
0x9: {  	[smem:$0x3FA6] =	sst s1  }
0xa: {  	[smem:$0x3FA7] =	sst s2  }
0xb: {  	[smem:$0x3FA8] =	sst s3  }
0xc: {  	[smem:$0x3FA9] =	sst s4  }
0xd: {  	[smem:$0x3FAA] =	sst s5  }
0xe: {  	[smem:$0x3FAB] =	sst s6  }
0xf: {  	[smem:$0x3FAC] =	sst s7  }
0x10: {  	[smem:$0x3FAD] =	sst s8  }
0x11: {  	[smem:$0x3FAE] =	sst s9;
	s0 =	simm.s32 @!p0 $0x0  }
0x12: {  	s1 =	sld [smem:$0x3F94];
	s0 =	simm.s32 @p0 $0x1  }
0x13: {  	[smem:$0x3FAF] =	sst s0;
	s0 =	simm.s32 @!p1 $0x0  }
0x14: {  	s2 =	sld [smem:$0x3F93];
	s0 =	simm.s32 @p1 $0x1  }
0x15: {  	[smem:$0x3FB0] =	sst s0;
	s0 =	simm.s32 @!p2 $0x0  }
0x16: {  	s3 =	sld [smem:$0x3FDB];
	s0 =	simm.s32 @p2 $0x1  }
0x17: {  	s4 =	simm.s32 $0x1BF5;
	[smem:$0x3FB2] =	sst s0  }
0x18: {  	s0 =	sld [smem:$0x3F95];
	_ =	swait.ge [sflag:s4], $0x0  }
0x19: {  	s7 =	sld [smem:$0x3F96]  }
0x1a: {  	s8 =	sadd.s32 $0xFFFFE003, lr  }
0x1b: {  	s9 =	sadd.s32 $0xFFFFFEF7, lr;
	s5 =	simm.s32 $0xFFFFFFFF;
	p2 =	slt.u32 s8, $0xFFFFF086  }
0x1c: {  	p1 =	slt.u32 s9, $0xF7A;
	s5 =	simm.s32 @!p2 $0x0  }
0x1d: {  	s5 =	simm.s32 @p1 $0x1;
	p0 =	seq.s32 s7, s2  }
0x1e: {  	s7 =	smul.u32 @!p0 $0xF7A, s2;
	p2 =	seq.s32 @!p0 s5, $0x0  }
0x1f: {  	s9 =	smul.u32 $0xF7A, s1;
	s8 =	simm.s32 @!p0 $0x1BF5;
	p2 =	por !p2, p0  }
0x20: {  	[sflag:s8] =	ssyncset.s32 @!p0 $0xFFFFF086;
	s6 =	sadd.s32 @!p0 s3, s7;
	s7 =	simm.s32 @!p0 $0x108  }
0x21: {  	s3 =	sadd.s32 s3, s9;
	s6 =	sadd.s32 @!p0 $0x88, s6;
	s7 =	simm.s32 @p2 $0x1082  }
0x22: {  	[simem:s7], [sflag:s8] =	dma.local @!p0 [hbm:s6], $0xF7A  }
0x23: {  	s9 =	sor.u32 $0xD0000000, s2;
	s6 =	simm.s32 $0x108;
	_ =	swait.ge @!p0 [sflag:s8], $0x0  }
0x24: {  	s3 =	sadd.s32 $0x88, s3;
	s6 =	simm.s32 @!p1 $0x1082;
	[sflag:s4] =	ssyncset.s32 $0xFFFFF086  }
0x25: {  	[simem:s6], [sflag:s4] =	dma.local [hbm:s3], $0xF7A  }
0x26: {  	[smem:$0x3F96] =	sst s1;
	(tag) =	ssettag s2;
	_ =	strace s9  }
0x27: {  	s1 =	sld [smem:$0x3FA6]  }
0x28: {  	s2 =	sld [smem:$0x3FA7]  }
0x29: {  	s4 =	sld [smem:$0x3FA9]  }
0x2a: {  	p0 =	seq.s32 s5, $0x0;
	s5 =	sld [smem:$0x3FAA]  }
0x2b: {  	s6 =	sld [smem:$0x3FAB]  }
0x2c: {  	s7 =	sld [smem:$0x3FAC]  }
0x2d: {  	s3 =	simm.s32 $0x108;
	s8 =	sld [smem:$0x3FAD]  }
0x2e: {  	s3 =	simm.s32 @!p0 $0x1082;
	s9 =	sld [smem:$0x3FAE]  }
0x2f: {  	lr =	sadd.s32 s0, s3;
	s0 =	sld [smem:$0x3FA5]  }
0x30: {  	s3 =	sld [smem:$0x3FA8]  }
0x31: {  	[smem:$0x3FB1] =	sst s10  }
0x32: {  	s10 =	sld [smem:$0x3FAF];
	_ =	sdelay $0x3  }
0x33: {  	p0 =	seq.s32 s10, $0x1;
	s10 =	sld [smem:$0x3FB1];
	_ =	sdelay $0x3  }
0x34: {  	[smem:$0x3FB1] =	sst s10  }
0x35: {  	s10 =	sld [smem:$0x3FB0];
	_ =	sdelay $0x3  }
0x36: {  	p1 =	seq.s32 s10, $0x1;
	s10 =	sld [smem:$0x3FB1];
	_ =	sdelay $0x3  }
0x37: {  	[smem:$0x3FB1] =	sst s10  }
0x38: {  	s10 =	sld [smem:$0x3FB2]  }
0x39: {  	_ = 	snop;
	(pc) =	sbr.ind lr, $3  }
0x3a: {  	_ = 	snop  }
0x3b: {  	_ = 	snop  }
0x3c: {  	p2 =	seq.s32 s10, $0x1;
	s10 =	sld [smem:$0x3FB1]  }
0x3d: {  	_ =	shalt  }
0x3e: {  	_ =	shalt  }
0x3f: {  	_ =	shalt  }
0x40: {  	_ =	shalt  }
0x41: {  	_ =	shalt  }
0x42: {  	_ =	shalt  }
0x43: {  	_ =	shalt  }
0x44: {  	_ =	shalt  }
0x45: {  	_ =	shalt  }
0x46: {  	_ =	shalt  }
0x47: {  	_ =	shalt  }
0x48: {  	_ =	shalt  }
0x49: {  	_ =	shalt  }
0x4a: {  	_ =	shalt  }
0x4b: {  	_ =	shalt  }
0x4c: {  	_ =	shalt  }
0x4d: {  	_ =	shalt  }
0x4e: {  	_ =	shalt  }
0x4f: {  	_ =	shalt  }
0x50: {  	_ =	shalt  }
0x51: {  	_ =	shalt  }
0x52: {  	_ =	shalt  }
0x53: {  	_ =	shalt  }
0x54: {  	_ =	shalt  }
0x55: {  	_ =	shalt  }
0x56: {  	_ =	shalt  }
0x57: {  	_ =	shalt  }
0x58: {  	_ =	shalt  }
0x59: {  	_ =	shalt  }
0x5a: {  	_ =	shalt  }
0x5b: {  	_ =	shalt  }
0x5c: {  	_ =	shalt  }
0x5d: {  	_ =	shalt  }
0x5e: {  	_ =	shalt  }
0x5f: {  	_ =	shalt  }
0x60: {  	_ =	shalt  }
0x61: {  	_ =	shalt  }
0x62: {  	_ =	shalt  }
0x63: {  	_ =	shalt  }
0x64: {  	_ =	shalt  }
0x65: {  	_ =	shalt  }
0x66: {  	_ =	shalt  }
0x67: {  	_ =	shalt  }
0x68: {  	_ =	shalt  }
0x69: {  	_ =	shalt  }
0x6a: {  	_ =	shalt  }
0x6b: {  	_ =	shalt  }
0x6c: {  	_ =	shalt  }
0x6d: {  	_ =	shalt  }
0x6e: {  	_ =	shalt  }
0x6f: {  	_ =	shalt  }
0x70: {  	_ =	shalt  }
0x71: {  	_ =	shalt  }
0x72: {  	_ =	shalt  }
0x73: {  	_ =	shalt  }
0x74: {  	_ =	shalt  }
0x75: {  	_ =	shalt  }
0x76: {  	_ =	shalt  }
0x77: {  	_ =	shalt  }
0x78: {  	_ =	shalt  }
0x79: {  	_ =	shalt  }
0x7a: {  	_ =	shalt  }
0x7b: {  	_ =	shalt  }
0x7c: {  	_ =	shalt  }
0x7d: {  	_ =	shalt  }
0x7e: {  	_ =	shalt  }
0x7f: {  	_ =	shalt  }
0x80: {  	_ =	shalt  }
0x81: {  	_ =	shalt  }
0x82: {  	_ =	shalt  }
0x83: {  	_ =	shalt  }
0x84: {  	_ =	shalt  }
0x85: {  	_ =	shalt  }
0x86: {  	_ =	shalt  }
0x87: {  	_ =	shalt  }
.Lfunc_end0:
.L_simem_size_0:
called_computation_lowered:
.L_overlay_start_0:
0x88: {  	s2 =	sld [smem:$0x3FD9]  }
0x89: {  	s3 =	sld [smem:$0x3FFE];
	_ =	sdelay $0x1  }
0x8a: {  	s1 =	srdreg.scid  }
0x8b: {  	s0 =	sand.u32 $0x1, s1  }
0x8c: {  	s17 =	sshll.u32 s0, $0xA;
	s2 =	sadd.s32 s3, s2  }
0x8d: {  	s2 =	sadd.s32 s2, s17  }
0x8e: {  	[smem:$0x3FBD] =	sst s2  }
0x8f: {  	_ = 	snop  }
0x90: {  	s18 =	sld [smem:$0x3FC9];
	(tm) =	ssettm $0x1  }
0x91: {  	s19 =	sld [smem:$0x3FFB];
	_ =	sdelay $0x3  }
0x92: {  	_ =	strace s19  }
0x93: {  	s2 =	sld [smem:$0x3FFC];
	_ =	sdelay $0x3  }
0x94: {  	_ =	strace s2  }
0x95: {  	s2 =	sld [smem:$0x3FFD];
	_ =	sdelay $0x3  }
0x96: {  	_ =	strace s2  }
0x97: {  	_ =	strace $0x8FFFFFFF  }
0x98: {  	s20 =	sld [smem:$0x3FDB];
	_ =	sdelay $0x1  }
0x99: {  	s4 =	simm.s32 $_scs_section_size  }
0x9a: {  	s5 =	simm.s32 $_size__tile_overlayer_lowered;
	s6 =	simm.s32 $_tile_overlayer_lowered  }
0x9b: {  	s7 =	simm.s32 $0x1BFF;
	s21 =	sshll.u32 s6, $0x1;
	s4 =	sadd.s32 s4, s20  }
0x9c: {  	s22 =	simm.s32 $0x0;
	s5 =	sshll.u32 s5, $0x1;
	s6 =	sadd.s32 s21, s4  }
0x9d: {  	[timem:s22], [sflag:s7] =	dma.local [hbm:s6], s5  }
0x9e: {  	_ =	swait.ge [sflag:s7], s5  }
0x9f: {  	s5 =	ssub.s32 $0x0, s5;
	[sflag:s7] =	ssyncset.done $0x0  }
0xa0: {  	[sflag:s7] =	ssyncadd.s32 s5;
	_ =	sdelay $0x1  }
0xa1: {  	s23 =	simm.s32 $0x1B8B  }
0xa2: {  	_ =	swait.ge [sflag:s23], $0x1  }
0xa3: {  	[sflag:s23] =	ssyncset.done $0x0  }
0xa4: {  	[sflag:s23] =	ssyncadd.s32 $0xFFFFFFFF  }
0xa5: {  	s5 =	sld [smem:$0x0]  }
0xa6: {  	s6 =	sand.u32 $0xFFFFFFFE, s1  }
0xa7: {  	p0 =	sne.s32 s1, s6  }
0xa8: {  	s6 =	sshll.u32 @p0 s6, $0xE  }
0xa9: {  	s6 =	sadd.s32 @p0 $0x11B8D, s6;
	s7 =	sshll.u32 @p0 s5, $0x11  }
0xaa: {  	s6 =	sor.u32 @p0 s7, s6  }
0xab: {  	[sflag:s6] =	ssyncadd.remote.s32 @p0 $0x1;
	_ =	sdelay $0x1  }
0xac: {  	s6 =	simm.s32 @p0 $0x1B8D  }
0xad: {  	_ =	swait.eq @p0 [sflag:s6], $0x1  }
0xae: {  	[sflag:s6] =	ssyncadd.s32 @p0 $0xFFFFFFFF  }
0xaf: {  	s7 =	sshll.u32 @!p0 s1, $0xE  }
0xb0: {  	s7 =	sor.u32 @!p0 $0x4000, s7;
	s6 =	simm.s32 @!p0 $0x1B8D  }
0xb1: {  	s5 =	sshll.u32 @!p0 s5, $0x11;
	s7 =	sadd.s32 @!p0 $0x11B8D, s7;
	_ =	swait.eq @!p0 [sflag:s6], $0x1  }
0xb2: {  	s5 =	sor.u32 @!p0 s5, s7;
	[sflag:s6] =	ssyncadd.s32 @!p0 $0xFFFFFFFF  }
0xb3: {  	s25 =	simm.s32 $0x1B8E;
	s24 =	sld [smem:$0x3FFE];
	[sflag:s5] =	ssyncadd.remote.s32 @!p0 $0x1  }
0xb4: {  	s26 =	simm.s32 $execute0_lowered;
	[smem:$0x3FD2] =	sst s25  }
0xb5: {  	s6 =	sshll.u32 s26, $0x1;
	_ =	strace $0x80000049;
	[dreg:$0x1] =	wrdreg $0xFFFFFFFF  }
0xb6: {  	s28 =	simm.s32 $_size_execute0_lowered;
	s4 =	sadd.s32 s4, s6;
	[dreg:$0x0] =	wrdreg $0x0  }
0xb7: {  	s6 =	sshll.u32 s28, $0x1;
	[dreg:$0x2] =	wrdreg s4  }
0xb8: {  	[dreg:$0x3] =	wrdreg s6  }
0xb9: {  	[dreg:$0x4] =	wrdreg $0xC0  }
0xba: {  	_ =	task [dreg:s22], $0x5FFFF  }
0xbb: {  	[dreg:$0x1] =	wrdreg $0xFFFFFFFF  }
0xbc: {  	[dreg:$0x0] =	wrdreg $0x60  }
0xbd: {  	[dreg:$0x2] =	wrdreg s24  }
0xbe: {  	[dreg:$0x3] =	wrdreg s18  }
0xbf: {  	[dreg:$0x4] =	wrdreg $0x9  }
0xc0: {  	_ =	task.clear_ibuf [dreg:s22], $0x5FFFF;
	_ =	strace $0x90000049  }
0xc1: {  	s29 =	simm.s32 $0x9;
	_ =	strace $0x8000004B  }
0xc2: {  	_ =	swait.ge [sflag:s29], $0x1  }
0xc3: {  	[sflag:s29] =	ssyncadd.s32 $0xFFFFFFFF  }
0xc4: {  	_ =	strace $0x9000004B  }
0xc5: {  	_ =	sfence  }
0xc6: {  	s30 =	sld [smem:$0x0];
	_ =	sdelay $0x2  }
0xc7: {  	s31 =	sshll.u32 s1, $0xD;
	s1 =	sshrl.u32 s1, $0x2  }
0xc8: {  	s4 =	sand.u32 $0x4000, s31;
	s1 =	sadd.s32 s1, s30  }
0xc9: {  	s0 =	sor.u32 s4, s0;
	s1 =	sshll.u32 s1, $0x11  }
0xca: {  	s0 =	sor.u32 s1, s0  }
0xcb: {  	s0 =	sadd.s32 $0x8F2B, s0  }
0xcc: {  	[sflag:s0] =	ssyncadd.remote.s32 $0x1  }
0xcd: {  	_ =	sfence.sel $0xFFFF  }
0xce: {  	[dreg:$0x0] =	wrdreg $0xFFFFFFFF;
	(pc) =	sbr.abs _section_cstart, $3  }
0xcf: {  	[dreg:$0x1] =	wrdreg $0xFFFFFFFF  }
0xd0: {  	_ =	task.clear_ibuf [dreg:s22], $0x2FFFF;
	_ =	strace $0x9FFFFFFF  }
0xd1: {  	(tm) =	ssettm $0x7FFFFFFF  }
tec
execute0_lowered:
.L_overlay_start_1:
0x0: {  	(tag) =	ssettag $0x1  }
0x1: {  	s0 =	rddreg [dreg:$0x0]  }
0x2: {  	s2 =	rddreg [dreg:$0x1];
	s1 =	simm.s32 $0x0;
	s3 =	srdreg.scid  }
0x3: {  	s8 =	stileid.u32;
	[smem:$0x7FF] =	sst s1;
	s4 =	sand.u32 $0x1, s3  }
0x4: {  	s3 =	sadd.s32 $0x20A200, s0;
	s7 =	sshll.u32 s8, $0x7;
	s8 =	sshll.u32 s8, $0xE  }
0x5: {  	s5 =	sshll.u32 s4, $0xD;
	s30 =	ssub.s32 $0x2, s4;
	s4 =	sshll.u32 s4, $0x6  }
0x6: {  	_ =	strace $0x8000004A;
	s0 =	sadd.s32 s5, s0;
	s2 =	sadd.s32 s2, s4  }
0x7: {  	s6 =	sshrl.u32 s30, $0x1;
	s2 =	sadd.s32 s7, s2;
	s0 =	sadd.s32 s8, s0  }
0x8: {  	s6 =	ssub.s32 s30, s6;
	[dreg:$0x3] =	wrdreg s2;
	s0 =	sadd.s32 $0x390C00, s0  }
0x9: {  	s10 =	simm.s32 $0x0;
	s31 =	smax.u32 s6, $0x1;
	[dreg:$0x4] =	wrdreg s0  }
0xa: {  	s7 =	simm.s32 $0x2;
	s8 =	simm.s32 $0x1;
	[dreg:$0x5] =	wrdreg s31  }
.LBB2_1:
0xb: {  	s0 =	rddreg [dreg:$0x3];
	s24 =	simm.s32 $0x0  }
0xc: {  	[tilespmem:s1], [sflag:$0x2] =	stream.linear.gather [hbm4b:s0+s1], $0x200, $0x38;
	[tilespmem:$0x10200] =	vst v63  }
0xd: {  	s2 =	sand.u32 $0xFFFFFF80, s24  }
0xe: {  	s9 =	simm.s32 $0x0;
	s2 =	ssub.s32 $0x0, s2  }
0xf: {  	s0 =	sand.u32 $0x3FFFFF80, s24;
	_ =	swait.ge [sflag:s7], $0x200;
	s2 =	sand.u32 $0xFFFFFF80, s2  }
0x10: {  	s25 =	sand.u32 $0x70, s9;
	[sflag:s7] =	ssyncset.done $0x0;
	s0 =	sadd.s32 s2, s0  }
0x11: {  	[sflag:s7] =	ssyncadd.s32 $0xFFFFFE00;
	s0 =	sor.u32 s25, s0  }
0x12: {  	v0 =	vld [tilespmem:s0+$0x0];
	_ =	sdelay $0x4  }
0x13: {  	v0 =	vshll.u32 v0, $0x4  }
0x14: {  	(v2sf) =	vpush v0, $0x1;
	_ =	sdelay $0x1  }
0x15: {  	(v2sf) =	vpush v0, $0x0;
	_ =	sdelay $0x3  }
0x16: {  	(v2sf) =	vpush v0, $0x3;
	_ =	sdelay $0x2  }
0x17: {  	(v2sf) =	vpush v0, $0x2;
	_ =	sdelay $0x1  }
0x18: {  	s26 =	simm.s32 $0x10;
	s11 =	simm.s32 $0x2000;
	(v2sf) =	vpush v0, $0x4  }
0x19: {  	s12 =	simm.s32 $0x4000;
	s14 =	simm.s32 $0x1;
	s15 =	simm.s32 $0x10  }
0x1a: {  	s16 =	simm.s32 $0xFFFFFE10;
	s5 =	simm.s32 $0x10;
	s13 =	simm.s32 $0x0;
	(v2sf) =	vpush v0, $0x5  }
0x1b: {  	s30 =	simm.s32 $0x400;
	s23 =	simm.s32 $0x580;
	s22 =	simm.s32 $0x200  }
0x1c: {  	s4 =	sand.u32 $0xFFFFFF80, s26;
	s0 =	sand.u32 $0x3FFFFF80, s26;
	s26 =	spop (v2sf);
	(v2sf) =	vpush v0, $0x6  }
0x1d: {  	s28 =	simm.s32 $0x480;
	s21 =	simm.s32 $0x700;
	s19 =	simm.s32 $0x780  }
0x1e: {  	s17 =	simm.s32 $0x980;
	s2 =	ssub.s32 $0x10, s4;
	s29 =	spop (v2sf);
	(v2sf) =	vpush v0, $0x7  }
0x1f: {  	s20 =	simm.s32 $0x800;
	s31 =	simm.s32 $0x300;
	s2 =	sand.u32 $0xFFFFFF80, s2  }
0x20: {  	s9 =	simm.s32 $0x280;
	s0 =	sadd.s32 s2, s0;
	s2 =	sand.u32 $0x70, s5;
	(v2sf) =	vpush v0, $0x8  }
0x21: {  	s24 =	simm.s32 $0x600;
	s25 =	simm.s32 $0x500;
	s18 =	sor.u32 s2, s0  }
0x22: {  	s26 =	sand.u32 $0x1FFFFFF0, s26;
	s6 =	sand.u32 $0x1FFFFFF0, s29;
	s4 =	spop (v2sf);
	(v2sf) =	vpush v0, $0x9  }
0x23: {  	s5 =	sadd.s32 s3, s26;
	s29 =	simm.s32 $0x680;
	s0 =	sadd.s32 s3, s6  }
0x24: {  	[tilespmem:s22], [sflag:$0x1] =	stream.linear.gather [hbm4b:s0+s1], $0x80, $0x38;
	(v2sf) =	vpush v0, $0xA;
	[tilespmem:$0x10200] =	vst v63  }
0x25: {  	s6 =	spop (v2sf);
	s2 =	sand.u32 $0x1FFFFFF0, s4;
	s22 =	simm.s32 $0x880  }
0x26: {  	(v2sf) =	vpush v0, $0xB;
	[tilespmem:s9], [sflag:$0x1] =	stream.linear.gather [hbm4b:s5+s1], $0x80, $0x38;
	[tilespmem:$0x10200] =	vst v63  }
0x27: {  	s0 =	simm.s32 $0x380;
	s26 =	spop (v2sf);
	s9 =	sand.u32 $0x1FFFFFF0, s6;
	(v2sf) =	vpush v0, $0xC  }
.LBB2_2:
0x28: {  	s9 =	sadd.s32 s3, s9  }
0x29: {  	s4 =	sand.u32 $0x1FFFFFF0, s26;
	s5 =	spop (v2sf);
	s26 =	smov.u32 s12  }
0x2a: {  	[tilespmem:s31], [sflag:$0x1] =	stream.linear.gather [hbm4b:s9+s1], $0x80, $0x38;
	(v2sf) =	vpush v0, $0xD;
	[tilespmem:$0x10200] =	vst v63  }
0x2b: {  	s2 =	sadd.s32 s3, s2;
	s5 =	sand.u32 $0x1FFFFFF0, s5;
	s9 =	spop (v2sf)  }
0x2c: {  	[tilespmem:s0], [sflag:$0x1] =	stream.linear.gather [hbm4b:s2+s1], $0x80, $0x38;
	(v2sf) =	vpush v0, $0xE;
	[tilespmem:$0x10200] =	vst v63  }
0x2d: {  	s0 =	sadd.s32 s3, s4;
	s2 =	sand.u32 $0x1FFFFFF0, s9;
	s4 =	spop (v2sf)  }
0x2e: {  	[tilespmem:s30], [sflag:$0x1] =	stream.linear.gather [hbm4b:s0+s1], $0x80, $0x38;
	(v2sf) =	vpush v0, $0xF;
	[tilespmem:$0x10200] =	vst v63  }
0x2f: {  	s0 =	sadd.s32 s3, s5;
	s4 =	sand.u32 $0x1FFFFFF0, s4;
	s5 =	spop (v2sf)  }
0x30: {  	[tilespmem:s28], [sflag:$0x1] =	stream.linear.gather [hbm4b:s0+s1], $0x80, $0x38;
	[tilespmem:$0x10200] =	vst v63  }
0x31: {  	s0 =	sadd.s32 s3, s2;
	s2 =	sand.u32 $0x1FFFFFF0, s5;
	s5 =	spop (v2sf)  }
0x32: {  	[tilespmem:s25], [sflag:$0x1] =	stream.linear.gather [hbm4b:s0+s1], $0x80, $0x38;
	[tilespmem:$0x10200] =	vst v63  }
0x33: {  	s0 =	sadd.s32 s3, s4;
	s4 =	sand.u32 $0x1FFFFFF0, s5;
	s5 =	spop (v2sf)  }
0x34: {  	[tilespmem:s23], [sflag:$0x1] =	stream.linear.gather [hbm4b:s0+s1], $0x80, $0x38;
	[tilespmem:$0x10200] =	vst v63  }
0x35: {  	s0 =	sadd.s32 s3, s2;
	s2 =	sand.u32 $0x1FFFFFF0, s5;
	s5 =	spop (v2sf)  }
0x36: {  	[tilespmem:s24], [sflag:$0x1] =	stream.linear.gather [hbm4b:s0+s1], $0x80, $0x38;
	[tilespmem:$0x10200] =	vst v63  }
0x37: {  	s0 =	sadd.s32 s3, s4;
	s4 =	sand.u32 $0x1FFFFFF0, s5;
	s5 =	spop (v2sf)  }
0x38: {  	[tilespmem:s29], [sflag:$0x1] =	stream.linear.gather [hbm4b:s0+s1], $0x80, $0x38;
	[tilespmem:$0x10200] =	vst v63  }
0x39: {  	s0 =	sadd.s32 s3, s2;
	s2 =	sand.u32 $0x1FFFFFF0, s5;
	s5 =	spop (v2sf)  }
0x3a: {  	[tilespmem:s21], [sflag:$0x1] =	stream.linear.gather [hbm4b:s0+s1], $0x80, $0x38;
	[tilespmem:$0x10200] =	vst v63  }
0x3b: {  	s0 =	sadd.s32 s3, s4;
	s4 =	sand.u32 $0x1FFFFFF0, s5;
	s5 =	spop (v2sf)  }
0x3c: {  	[tilespmem:s19], [sflag:$0x1] =	stream.linear.gather [hbm4b:s0+s1], $0x80, $0x38;
	[tilespmem:$0x10200] =	vst v63  }
0x3d: {  	s0 =	sadd.s32 s3, s2;
	s2 =	sand.u32 $0x1FFFFFF0, s5;
	s5 =	spop (v2sf)  }
0x3e: {  	[tilespmem:s20], [sflag:$0x1] =	stream.linear.gather [hbm4b:s0+s1], $0x80, $0x38;
	[tilespmem:$0x10200] =	vst v63  }
0x3f: {  	p0 =	sne.s32 s12, $0x3E000;
	s0 =	sadd.s32 s3, s4;
	s4 =	sand.u32 $0x1FFFFFF0, s5  }
0x40: {  	[tilespmem:s22], [sflag:$0x1] =	stream.linear.gather [hbm4b:s0+s1], $0x80, $0x38;
	[tilespmem:$0x10200] =	vst v63  }
0x41: {  	s12 =	sadd.s32 $0x2000, s12;
	s2 =	sadd.s32 s3, s2;
	s0 =	sadd.s32 $0x900, s13  }
0x42: {  	[tilespmem:s0], [sflag:$0x1] =	stream.linear.gather [hbm4b:s2+s1], $0x80, $0x38;
	[tilespmem:$0x10200] =	vst v63  }
0x43: {  	s0 =	sadd.s32 s3, s4  }
0x44: {  	[tilespmem:s17], [sflag:$0x1] =	stream.linear.gather [hbm4b:s0+s1], $0x80, $0x38;
	[tilespmem:$0x10200] =	vst v63  }
0x45: {  	v0 =	vld [tilespmem:s18+$0x0];
	_ =	sdelay $0x4  }
0x46: {  	s14 =	sadd.s32 $0x1, s14;
	v0 =	vshll.u32 v0, $0x4  }
0x47: {  	s0 =	sshll.u32 s14, $0x4;
	(v2sf) =	vpush v0, $0x1  }
0x48: {  	s15 =	sadd.s32 $0x10, s15;
	s2 =	sand.u32 $0xFFFFFF80, s0;
	(v2sf) =	vpush v0, $0x0  }
0x49: {  	s2 =	ssub.s32 s15, s2;
	(v2sf) =	vpush v0, $0x3  }
0x4a: {  	s0 =	sand.u32 $0x3FFFFF80, s0;
	s2 =	sand.u32 $0xFFFFFF80, s2;
	(v2sf) =	vpush v0, $0x2  }
0x4b: {  	s0 =	sadd.s32 s2, s0  }
0x4c: {  	(v2sf) =	vpush v0, $0x4;
	_ =	sdelay $0x1  }
0x4d: {  	(v2sf) =	vpush v0, $0x5  }
0x4e: {  	s16 =	sadd.s32 $0x10, s16  }
0x4f: {  	s13 =	sshra.s32 s11, $0x2;
	s11 =	smov.u32 s26;
	s2 =	sadd.s32 $0x200, s16;
	(v2sf) =	vpush v0, $0x6  }
0x50: {  	s30 =	sadd.s32 $0x400, s13;
	s23 =	sadd.s32 $0x580, s13;
	s4 =	sadd.s32 $0x280, s13  }
0x51: {  	s5 =	sadd.s32 $0x200, s13;
	s28 =	sadd.s32 $0x480, s13;
	s21 =	sadd.s32 $0x700, s13;
	(v2sf) =	vpush v0, $0x7  }
0x52: {  	s25 =	sadd.s32 $0x500, s13;
	s19 =	sadd.s32 $0x780, s13;
	s17 =	sadd.s32 $0x980, s13  }
0x53: {  	s24 =	sadd.s32 $0x600, s13;
	s20 =	sadd.s32 $0x800, s13;
	s2 =	sand.u32 $0x70, s2;
	(v2sf) =	vpush v0, $0x8  }
0x54: {  	s31 =	sadd.s32 $0x300, s13;
	s22 =	sadd.s32 $0x880, s13;
	s18 =	sor.u32 s2, s0  }
0x55: {  	s29 =	sadd.s32 $0x680, s13;
	s0 =	spop (v2sf);
	(v2sf) =	vpush v0, $0x9  }
0x56: {  	s9 =	sand.u32 $0x1FFFFFF0, s0;
	s0 =	sadd.s32 $0x380, s13;
	s2 =	spop (v2sf)  }
.Ltmp0:
0x57: {  	s2 =	sand.u32 $0x1FFFFFF0, s2;
	s26 =	spop (v2sf);
	(v2sf) =	vpush v0, $0xA;
	(pc) =	sbr.rel @p0 .LBB2_2-.Ltmp0, $4  }
0x58: {  	s6 =	sadd.s32 s3, s2;
	s2 =	sand.u32 $0x1FFFFFF0, s26;
	s26 =	spop (v2sf)  }
0x59: {  	[tilespmem:s5], [sflag:$0x1] =	stream.linear.gather [hbm4b:s6+s1], $0x80, $0x38;
	(v2sf) =	vpush v0, $0xB;
	[tilespmem:$0x10200] =	vst v63  }
0x5a: {  	s5 =	sadd.s32 s3, s9;
	s9 =	sand.u32 $0x1FFFFFF0, s26;
	s26 =	spop (v2sf)  }
0x5b: {  	[tilespmem:s4], [sflag:$0x1] =	stream.linear.gather [hbm4b:s5+s1], $0x80, $0x38;
	(v2sf) =	vpush v0, $0xC;
	[tilespmem:$0x10200] =	vst v63  }
0x5c: {  	s4 =	sadd.s32 s3, s9  }
0x5d: {  	[tilespmem:s31], [sflag:$0x1] =	stream.linear.gather [hbm4b:s4+s1], $0x80, $0x38;
	[tilespmem:$0x10200] =	vst v63  }
0x5e: {  	s2 =	sadd.s32 s3, s2;
	s16 =	sand.u32 $0x1FFFFFF0, s26  }
0x5f: {  	[tilespmem:s0], [sflag:$0x1] =	stream.linear.gather [hbm4b:s2+s1], $0x80, $0x38;
	[tilespmem:$0x10200] =	vst v63  }
0x60: {  	s26 =	spop (v2sf);
	s0 =	sadd.s32 s3, s16  }
0x61: {  	[tilespmem:s30], [sflag:$0x1] =	stream.linear.gather [hbm4b:s0+s1], $0x80, $0x38;
	[tilespmem:$0x10200] =	vst v63  }
0x62: {  	s0 =	sand.u32 $0x1FFFFFF0, s26  }
0x63: {  	s30 =	spop (v2sf);
	s0 =	sadd.s32 s3, s0  }
0x64: {  	[tilespmem:s28], [sflag:$0x1] =	stream.linear.gather [hbm4b:s0+s1], $0x80, $0x38;
	[tilespmem:$0x10200] =	vst v63  }
0x65: {  	s0 =	sand.u32 $0x1FFFFFF0, s30  }
0x66: {  	s31 =	spop (v2sf);
	s0 =	sadd.s32 s3, s0  }
0x67: {  	[tilespmem:s25], [sflag:$0x1] =	stream.linear.gather [hbm4b:s0+s1], $0x80, $0x38;
	[tilespmem:$0x10200] =	vst v63  }
0x68: {  	s0 =	sand.u32 $0x1FFFFFF0, s31  }
0x69: {  	s2 =	spop (v2sf);
	s0 =	sadd.s32 s3, s0  }
0x6a: {  	[tilespmem:s23], [sflag:$0x1] =	stream.linear.gather [hbm4b:s0+s1], $0x80, $0x38;
	[tilespmem:$0x10200] =	vst v63  }
0x6b: {  	(v2sf) =	vpush v0, $0xD;
	s0 =	sand.u32 $0x1FFFFFF0, s2  }
0x6c: {  	s4 =	spop (v2sf);
	s0 =	sadd.s32 s3, s0  }
0x6d: {  	(v2sf) =	vpush v0, $0xE;
	[tilespmem:s24], [sflag:$0x1] =	stream.linear.gather [hbm4b:s0+s1], $0x80, $0x38;
	[tilespmem:$0x10200] =	vst v63  }
0x6e: {  	s0 =	sand.u32 $0x1FFFFFF0, s4  }
0x6f: {  	s5 =	spop (v2sf);
	s0 =	sadd.s32 s3, s0  }
0x70: {  	(v2sf) =	vpush v0, $0xF;
	[tilespmem:s29], [sflag:$0x1] =	stream.linear.gather [hbm4b:s0+s1], $0x80, $0x38;
	[tilespmem:$0x10200] =	vst v63  }
0x71: {  	s0 =	sand.u32 $0x1FFFFFF0, s5  }
0x72: {  	s6 =	spop (v2sf);
	s0 =	sadd.s32 s3, s0  }
0x73: {  	[tilespmem:s21], [sflag:$0x1] =	stream.linear.gather [hbm4b:s0+s1], $0x80, $0x38;
	[tilespmem:$0x10200] =	vst v63  }
0x74: {  	s0 =	sand.u32 $0x1FFFFFF0, s6  }
0x75: {  	s9 =	spop (v2sf);
	s0 =	sadd.s32 s3, s0  }
0x76: {  	[tilespmem:s19], [sflag:$0x1] =	stream.linear.gather [hbm4b:s0+s1], $0x80, $0x38;
	[tilespmem:$0x10200] =	vst v63  }
0x77: {  	s0 =	sand.u32 $0x1FFFFFF0, s9  }
0x78: {  	s0 =	sadd.s32 s3, s0  }
0x79: {  	[tilespmem:s20], [sflag:$0x1] =	stream.linear.gather [hbm4b:s0+s1], $0x80, $0x38;
	[tilespmem:$0x10200] =	vst v63  }
0x7a: {  	s12 =	spop (v2sf)  }
0x7b: {  	s0 =	sand.u32 $0x1FFFFFF0, s12  }
0x7c: {  	s14 =	spop (v2sf);
	s0 =	sadd.s32 s3, s0  }
0x7d: {  	[tilespmem:s22], [sflag:$0x1] =	stream.linear.gather [hbm4b:s0+s1], $0x80, $0x38;
	[tilespmem:$0x10200] =	vst v63  }
0x7e: {  	s0 =	sand.u32 $0x1FFFFFF0, s14  }
0x7f: {  	s15 =	sadd.s32 $0x900, s13;
	s16 =	spop (v2sf);
	s0 =	sadd.s32 s3, s0  }
0x80: {  	[tilespmem:s15], [sflag:$0x1] =	stream.linear.gather [hbm4b:s0+s1], $0x80, $0x38;
	[tilespmem:$0x10200] =	vst v63  }
0x81: {  	s0 =	sand.u32 $0x1FFFFFF0, s16  }
0x82: {  	s0 =	sadd.s32 s3, s0  }
0x83: {  	[tilespmem:s17], [sflag:$0x1] =	stream.linear.gather [hbm4b:s0+s1], $0x80, $0x38;
	[tilespmem:$0x10200] =	vst v63  }
0x84: {  	v63 =	vld [tilespmem:s18+$0x0];
	_ =	sdelay $0x4  }
0x85: {  	v0 =	vshll.u32 v63, $0x4  }
0x86: {  	(v2sf) =	vpush v0, $0x1;
	_ =	sdelay $0x1  }
0x87: {  	(v2sf) =	vpush v0, $0x0;
	_ =	sdelay $0x1  }
0x88: {  	(v2sf) =	vpush v0, $0x3;
	_ =	sdelay $0x3  }
0x89: {  	(v2sf) =	vpush v0, $0x2;
	_ =	sdelay $0x4  }
0x8a: {  	(v2sf) =	vpush v0, $0x4;
	_ =	sdelay $0x1  }
0x8b: {  	s18 =	spop (v2sf);
	(v2sf) =	vpush v0, $0x5;
	_ =	sdelay $0x1  }
0x8c: {  	s19 =	spop (v2sf);
	(v2sf) =	vpush v0, $0x6;
	_ =	sdelay $0x1  }
0x8d: {  	s22 =	spop (v2sf);
	(v2sf) =	vpush v0, $0x7  }
0x8e: {  	s11 =	sshra.s32 s11, $0x2;
	s2 =	sand.u32 $0x1FFFFFF0, s19  }
0x8f: {  	s20 =	sadd.s32 $0x200, s11;
	s0 =	sand.u32 $0x1FFFFFF0, s18;
	s2 =	sadd.s32 s3, s2  }
0x90: {  	[tilespmem:s20], [sflag:$0x1] =	stream.linear.gather [hbm4b:s2+s1], $0x80, $0x38;
	[tilespmem:$0x10200] =	vst v63  }
0x91: {  	s21 =	sadd.s32 $0x280, s11;
	s0 =	sadd.s32 s3, s0;
	s23 =	spop (v2sf)  }
0x92: {  	(v2sf) =	vpush v0, $0x8;
	[tilespmem:s21], [sflag:$0x1] =	stream.linear.gather [hbm4b:s0+s1], $0x80, $0x38;
	[tilespmem:$0x10200] =	vst v63  }
0x93: {  	s0 =	sand.u32 $0x1FFFFFF0, s23  }
0x94: {  	s24 =	sadd.s32 $0x300, s11;
	s25 =	sand.u32 $0x1FFFFFF0, s22;
	s0 =	sadd.s32 s3, s0  }
0x95: {  	[tilespmem:s24], [sflag:$0x1] =	stream.linear.gather [hbm4b:s0+s1], $0x80, $0x38;
	[tilespmem:$0x10200] =	vst v63  }
0x96: {  	s26 =	sadd.s32 $0x380, s11;
	s28 =	spop (v2sf);
	s0 =	sadd.s32 s3, s25  }
0x97: {  	[tilespmem:s26], [sflag:$0x1] =	stream.linear.gather [hbm4b:s0+s1], $0x80, $0x38;
	[tilespmem:$0x10200] =	vst v63  }
0x98: {  	s30 =	spop (v2sf);
	(v2sf) =	vpush v0, $0x9  }
0x99: {  	s0 =	sand.u32 $0x1FFFFFF0, s28  }
0x9a: {  	s29 =	sadd.s32 $0x400, s11;
	s0 =	sadd.s32 s3, s0;
	s4 =	spop (v2sf);
	(v2sf) =	vpush v0, $0xA  }
0x9b: {  	[tilespmem:s29], [sflag:$0x1] =	stream.linear.gather [hbm4b:s0+s1], $0x80, $0x38;
	[tilespmem:$0x10200] =	vst v63  }
0x9c: {  	s6 =	spop (v2sf);
	(v2sf) =	vpush v0, $0xB  }
0x9d: {  	s0 =	sand.u32 $0x1FFFFFF0, s30  }
0x9e: {  	s31 =	sadd.s32 $0x480, s11;
	s0 =	sadd.s32 s3, s0  }
0x9f: {  	[tilespmem:s31], [sflag:$0x1] =	stream.linear.gather [hbm4b:s0+s1], $0x80, $0x38;
	[tilespmem:$0x10200] =	vst v63  }
0xa0: {  	s0 =	sand.u32 $0x1FFFFFF0, s4  }
0xa1: {  	s5 =	sadd.s32 $0x500, s11;
	s12 =	spop (v2sf);
	s0 =	sadd.s32 s3, s0  }
0xa2: {  	(v2sf) =	vpush v0, $0xC;
	[tilespmem:s5], [sflag:$0x1] =	stream.linear.gather [hbm4b:s0+s1], $0x80, $0x38;
	[tilespmem:$0x10200] =	vst v63  }
0xa3: {  	s0 =	sand.u32 $0x1FFFFFF0, s6  }
0xa4: {  	s9 =	sadd.s32 $0x580, s11;
	s0 =	sadd.s32 s3, s0  }
0xa5: {  	[tilespmem:s9], [sflag:$0x1] =	stream.linear.gather [hbm4b:s0+s1], $0x80, $0x38;
	[tilespmem:$0x10200] =	vst v63  }
0xa6: {  	s0 =	sand.u32 $0x1FFFFFF0, s12  }
0xa7: {  	s13 =	sadd.s32 $0x600, s11;
	s0 =	sadd.s32 s3, s0;
	s14 =	spop (v2sf);
	(v2sf) =	vpush v0, $0xD  }
0xa8: {  	[tilespmem:s13], [sflag:$0x1] =	stream.linear.gather [hbm4b:s0+s1], $0x80, $0x38;
	[tilespmem:$0x10200] =	vst v63  }
0xa9: {  	s16 =	spop (v2sf);
	(v2sf) =	vpush v0, $0xE  }
0xaa: {  	s0 =	sand.u32 $0x1FFFFFF0, s14  }
0xab: {  	s15 =	sadd.s32 $0x680, s11;
	s0 =	sadd.s32 s3, s0;
	s18 =	spop (v2sf)  }
0xac: {  	(v2sf) =	vpush v0, $0xF;
	[tilespmem:s15], [sflag:$0x1] =	stream.linear.gather [hbm4b:s0+s1], $0x80, $0x38;
	[tilespmem:$0x10200] =	vst v63  }
0xad: {  	s0 =	sand.u32 $0x1FFFFFF0, s16  }
0xae: {  	s17 =	sadd.s32 $0x700, s11;
	s0 =	sadd.s32 s3, s0  }
0xaf: {  	[tilespmem:s17], [sflag:$0x1] =	stream.linear.gather [hbm4b:s0+s1], $0x80, $0x38;
	[tilespmem:$0x10200] =	vst v63  }
0xb0: {  	s0 =	sand.u32 $0x1FFFFFF0, s18  }
0xb1: {  	s19 =	sadd.s32 $0x780, s11;
	s20 =	spop (v2sf);
	s0 =	sadd.s32 s3, s0  }
0xb2: {  	[tilespmem:s19], [sflag:$0x1] =	stream.linear.gather [hbm4b:s0+s1], $0x80, $0x38;
	[tilespmem:$0x10200] =	vst v63  }
0xb3: {  	s0 =	sand.u32 $0x1FFFFFF0, s20  }
0xb4: {  	s21 =	sadd.s32 $0x800, s11;
	s0 =	sadd.s32 s3, s0  }
0xb5: {  	[tilespmem:s21], [sflag:$0x1] =	stream.linear.gather [hbm4b:s0+s1], $0x80, $0x38;
	[tilespmem:$0x10200] =	vst v63  }
0xb6: {  	s22 =	spop (v2sf)  }
0xb7: {  	s0 =	sand.u32 $0x1FFFFFF0, s22  }
0xb8: {  	s23 =	sadd.s32 $0x880, s11;
	s24 =	spop (v2sf);
	s0 =	sadd.s32 s3, s0  }
0xb9: {  	[tilespmem:s23], [sflag:$0x1] =	stream.linear.gather [hbm4b:s0+s1], $0x80, $0x38;
	[tilespmem:$0x10200] =	vst v63  }
0xba: {  	s0 =	sand.u32 $0x1FFFFFF0, s24  }
0xbb: {  	s25 =	sadd.s32 $0x900, s11;
	s26 =	spop (v2sf);
	s0 =	sadd.s32 s3, s0  }
0xbc: {  	[tilespmem:s25], [sflag:$0x1] =	stream.linear.gather [hbm4b:s0+s1], $0x80, $0x38;
	[tilespmem:$0x10200] =	vst v63  }
0xbd: {  	s0 =	sand.u32 $0x1FFFFFF0, s26  }
0xbe: {  	s28 =	sadd.s32 $0x980, s11;
	s0 =	sadd.s32 s3, s0  }
0xbf: {  	[tilespmem:s28], [sflag:$0x1] =	stream.linear.gather [hbm4b:s0+s1], $0x80, $0x38;
	[tilespmem:$0x10200] =	vst v63  }
0xc0: {  	_ =	swait.ge [sflag:s8], $0x10000  }
0xc1: {  	[sflag:s8] =	ssyncset.done $0x0  }
0xc2: {  	s30 =	simm.s32 $0x200;
	s29 =	rddreg [dreg:$0x4];
	[sflag:s8] =	ssyncadd.s32 $0xFFFF0000  }
0xc3: {  	[hbm4b:s29+s1] =	stream.linear.scatter [tilespmem:s30], [sflag:$0x2], $0x10000, $0x38;
	[tilespmem:$0x10200] =	vst v63  }
0xc4: {  	_ =	swait.ge [sflag:s7], $0x10000  }
0xc5: {  	s10 =	sadd.s32 $0x1, s10;
	s31 =	rddreg [dreg:$0x5]  }
0xc6: {  	p0 =	sne.s32 s10, s31  }
.Ltmp1:
0xc7: {  	_ = 	snop;
	(pc) =	sbr.rel @p0 .LBB2_1-.Ltmp1, $3  }
0xc8: {  	_ =	sdelay $0x1  }
0xc9: {  	[sflag:s7] =	ssyncset.done $0x0  }
0xca: {  	[sflag:s7] =	ssyncadd.s32 $0xFFFF0000  }
0xcb: {  	_ =	sfence.sel $0x180000  }
0xcc: {  	[bflag:$0x0] =	sbarrier.arrive $0xFFFF  }
0xcd: {  	_ =	strace $0x9000004A  }
0xce: {  	s0 =	stileid.u32;
	[bflag:$0x2] =	sbarrier.arrive $0xFFFF  }
0xcf: {  	p0 =	sne.s32 s0, $0x0;
	s0 =	rddreg [dreg:$0x2]  }
0xd0: {  	s0 =	sadd.s32 @!p0 $0x100000, s0  }
0xd1: {  	[sflag:s0] =	ssyncadd.tile.s32 @!p0 $0x1;
	_ =	shalt  }
.Lfunc_end2:
_tile_overlayer_lowered:
.L_overlay_start_2:
0xd2: {  	(tag) =	ssettag $0x2  }
0xd3: {  	s0 =	rddreg [dreg:$0x0];
	s2 =	stileid.u32  }
0xd4: {  	s1 =	rddreg [dreg:$0x1];
	p0 =	sne.s32 s2, $0x0  }
0xd5: {  	s3 =	rddreg [dreg:$0x2];
	[bflag:$0x3] =	sbarrier.arrive $0xFFFF;
	s2 =	simm.s32 @!p0 $0x1C02  }
0xd6: {  	[timem:s3], [sflag:s2] =	dma.local @!p0 [hbm:s0], s1  }
0xd7: {  	s0 =	simm.s32 @!p0 $0x2  }
0xd8: {  	_ =	swait.ge @!p0 [sflag:s0], s1  }
0xd9: {  	s1 =	ssub.s32 @!p0 $0x0, s1;
	[sflag:s0] =	ssyncset.done @!p0 $0x0  }
0xda: {  	[sflag:s0] =	ssyncadd.s32 @!p0 s1  }
0xdb: {  	[bflag:$0x3] =	sbarrier.arrive $0xFFFF  }
0xdc: {  	_ =	shalt  }

// kernel: kernel.8.cloned.1.call-start
scs
__scs_entry_jumppad:
0x0: {  	(pc) =	sbr.rel $0x88, $3  }
0x1: {  	(tag) =	ssettag $0x0;
	lr =	simm.s32 $0x1  }
0x2: {  	[smem:$0x3F96] =	sst lr;
	_ =	strace $0xD0000000  }
0x3: {  	_ = 	snop  }
0x4: {  	_ = 	snop  }
0x5: {  	_ = 	snop  }
0x6: {  	_ = 	snop  }
0x7: {  	_ = 	snop  }
__scs_overlays_trampoline_lowered:
0x8: {  	[smem:$0x3FA5] =	sst s0  }
0x9: {  	[smem:$0x3FA6] =	sst s1  }
0xa: {  	[smem:$0x3FA7] =	sst s2  }
0xb: {  	[smem:$0x3FA8] =	sst s3  }
0xc: {  	[smem:$0x3FA9] =	sst s4  }
0xd: {  	[smem:$0x3FAA] =	sst s5  }
0xe: {  	[smem:$0x3FAB] =	sst s6  }
0xf: {  	[smem:$0x3FAC] =	sst s7  }
0x10: {  	[smem:$0x3FAD] =	sst s8  }
0x11: {  	[smem:$0x3FAE] =	sst s9;
	s0 =	simm.s32 @!p0 $0x0  }
0x12: {  	s1 =	sld [smem:$0x3F94];
	s0 =	simm.s32 @p0 $0x1  }
0x13: {  	[smem:$0x3FAF] =	sst s0;
	s0 =	simm.s32 @!p1 $0x0  }
0x14: {  	s2 =	sld [smem:$0x3F93];
	s0 =	simm.s32 @p1 $0x1  }
0x15: {  	[smem:$0x3FB0] =	sst s0;
	s0 =	simm.s32 @!p2 $0x0  }
0x16: {  	s3 =	sld [smem:$0x3FDB];
	s0 =	simm.s32 @p2 $0x1  }
0x17: {  	s4 =	simm.s32 $0x1BF5;
	[smem:$0x3FB2] =	sst s0  }
0x18: {  	s0 =	sld [smem:$0x3F95];
	_ =	swait.ge [sflag:s4], $0x0  }
0x19: {  	s7 =	sld [smem:$0x3F96]  }
0x1a: {  	s8 =	sadd.s32 $0xFFFFE003, lr  }
0x1b: {  	s9 =	sadd.s32 $0xFFFFFEF7, lr;
	s5 =	simm.s32 $0xFFFFFFFF;
	p2 =	slt.u32 s8, $0xFFFFF086  }
0x1c: {  	p1 =	slt.u32 s9, $0xF7A;
	s5 =	simm.s32 @!p2 $0x0  }
0x1d: {  	s5 =	simm.s32 @p1 $0x1;
	p0 =	seq.s32 s7, s2  }
0x1e: {  	s7 =	smul.u32 @!p0 $0xF7A, s2;
	p2 =	seq.s32 @!p0 s5, $0x0  }
0x1f: {  	s9 =	smul.u32 $0xF7A, s1;
	s8 =	simm.s32 @!p0 $0x1BF5;
	p2 =	por !p2, p0  }
0x20: {  	[sflag:s8] =	ssyncset.s32 @!p0 $0xFFFFF086;
	s6 =	sadd.s32 @!p0 s3, s7;
	s7 =	simm.s32 @!p0 $0x108  }
0x21: {  	s3 =	sadd.s32 s3, s9;
	s6 =	sadd.s32 @!p0 $0x88, s6;
	s7 =	simm.s32 @p2 $0x1082  }
0x22: {  	[simem:s7], [sflag:s8] =	dma.local @!p0 [hbm:s6], $0xF7A  }
0x23: {  	s9 =	sor.u32 $0xD0000000, s2;
	s6 =	simm.s32 $0x108;
	_ =	swait.ge @!p0 [sflag:s8], $0x0  }
0x24: {  	s3 =	sadd.s32 $0x88, s3;
	s6 =	simm.s32 @!p1 $0x1082;
	[sflag:s4] =	ssyncset.s32 $0xFFFFF086  }
0x25: {  	[simem:s6], [sflag:s4] =	dma.local [hbm:s3], $0xF7A  }
0x26: {  	[smem:$0x3F96] =	sst s1;
	(tag) =	ssettag s2;
	_ =	strace s9  }
0x27: {  	s1 =	sld [smem:$0x3FA6]  }
0x28: {  	s2 =	sld [smem:$0x3FA7]  }
0x29: {  	s4 =	sld [smem:$0x3FA9]  }
0x2a: {  	p0 =	seq.s32 s5, $0x0;
	s5 =	sld [smem:$0x3FAA]  }
0x2b: {  	s6 =	sld [smem:$0x3FAB]  }
0x2c: {  	s7 =	sld [smem:$0x3FAC]  }
0x2d: {  	s3 =	simm.s32 $0x108;
	s8 =	sld [smem:$0x3FAD]  }
0x2e: {  	s3 =	simm.s32 @!p0 $0x1082;
	s9 =	sld [smem:$0x3FAE]  }
0x2f: {  	lr =	sadd.s32 s0, s3;
	s0 =	sld [smem:$0x3FA5]  }
0x30: {  	s3 =	sld [smem:$0x3FA8]  }
0x31: {  	[smem:$0x3FB1] =	sst s10  }
0x32: {  	s10 =	sld [smem:$0x3FAF];
	_ =	sdelay $0x3  }
0x33: {  	p0 =	seq.s32 s10, $0x1;
	s10 =	sld [smem:$0x3FB1];
	_ =	sdelay $0x3  }
0x34: {  	[smem:$0x3FB1] =	sst s10  }
0x35: {  	s10 =	sld [smem:$0x3FB0];
	_ =	sdelay $0x3  }
0x36: {  	p1 =	seq.s32 s10, $0x1;
	s10 =	sld [smem:$0x3FB1];
	_ =	sdelay $0x3  }
0x37: {  	[smem:$0x3FB1] =	sst s10  }
0x38: {  	s10 =	sld [smem:$0x3FB2]  }
0x39: {  	_ = 	snop;
	(pc) =	sbr.ind lr, $3  }
0x3a: {  	_ = 	snop  }
0x3b: {  	_ = 	snop  }
0x3c: {  	p2 =	seq.s32 s10, $0x1;
	s10 =	sld [smem:$0x3FB1]  }
0x3d: {  	_ =	shalt  }
0x3e: {  	_ =	shalt  }
0x3f: {  	_ =	shalt  }
0x40: {  	_ =	shalt  }
0x41: {  	_ =	shalt  }
0x42: {  	_ =	shalt  }
0x43: {  	_ =	shalt  }
0x44: {  	_ =	shalt  }
0x45: {  	_ =	shalt  }
0x46: {  	_ =	shalt  }
0x47: {  	_ =	shalt  }
0x48: {  	_ =	shalt  }
0x49: {  	_ =	shalt  }
0x4a: {  	_ =	shalt  }
0x4b: {  	_ =	shalt  }
0x4c: {  	_ =	shalt  }
0x4d: {  	_ =	shalt  }
0x4e: {  	_ =	shalt  }
0x4f: {  	_ =	shalt  }
0x50: {  	_ =	shalt  }
0x51: {  	_ =	shalt  }
0x52: {  	_ =	shalt  }
0x53: {  	_ =	shalt  }
0x54: {  	_ =	shalt  }
0x55: {  	_ =	shalt  }
0x56: {  	_ =	shalt  }
0x57: {  	_ =	shalt  }
0x58: {  	_ =	shalt  }
0x59: {  	_ =	shalt  }
0x5a: {  	_ =	shalt  }
0x5b: {  	_ =	shalt  }
0x5c: {  	_ =	shalt  }
0x5d: {  	_ =	shalt  }
0x5e: {  	_ =	shalt  }
0x5f: {  	_ =	shalt  }
0x60: {  	_ =	shalt  }
0x61: {  	_ =	shalt  }
0x62: {  	_ =	shalt  }
0x63: {  	_ =	shalt  }
0x64: {  	_ =	shalt  }
0x65: {  	_ =	shalt  }
0x66: {  	_ =	shalt  }
0x67: {  	_ =	shalt  }
0x68: {  	_ =	shalt  }
0x69: {  	_ =	shalt  }
0x6a: {  	_ =	shalt  }
0x6b: {  	_ =	shalt  }
0x6c: {  	_ =	shalt  }
0x6d: {  	_ =	shalt  }
0x6e: {  	_ =	shalt  }
0x6f: {  	_ =	shalt  }
0x70: {  	_ =	shalt  }
0x71: {  	_ =	shalt  }
0x72: {  	_ =	shalt  }
0x73: {  	_ =	shalt  }
0x74: {  	_ =	shalt  }
0x75: {  	_ =	shalt  }
0x76: {  	_ =	shalt  }
0x77: {  	_ =	shalt  }
0x78: {  	_ =	shalt  }
0x79: {  	_ =	shalt  }
0x7a: {  	_ =	shalt  }
0x7b: {  	_ =	shalt  }
0x7c: {  	_ =	shalt  }
0x7d: {  	_ =	shalt  }
0x7e: {  	_ =	shalt  }
0x7f: {  	_ =	shalt  }
0x80: {  	_ =	shalt  }
0x81: {  	_ =	shalt  }
0x82: {  	_ =	shalt  }
0x83: {  	_ =	shalt  }
0x84: {  	_ =	shalt  }
0x85: {  	_ =	shalt  }
0x86: {  	_ =	shalt  }
0x87: {  	_ =	shalt  }
.Lfunc_end0:
.L_simem_size_0:
called_computation.1_lowered:
.L_overlay_start_0:
0x88: {  	s2 =	sld [smem:$0x3FD9]  }
0x89: {  	s3 =	sld [smem:$0x3FFE];
	_ =	sdelay $0x1  }
0x8a: {  	s1 =	srdreg.scid  }
0x8b: {  	s0 =	sand.u32 $0x1, s1  }
0x8c: {  	s17 =	sshll.u32 s0, $0xA;
	s2 =	sadd.s32 s3, s2  }
0x8d: {  	s2 =	sadd.s32 s2, s17  }
0x8e: {  	[smem:$0x3FBD] =	sst s2  }
0x8f: {  	_ = 	snop  }
0x90: {  	s2 =	sld [smem:$0x3FC8]  }
0x91: {  	s18 =	sld [smem:$0x3FC7];
	(tm) =	ssettm $0x1  }
0x92: {  	s4 =	sld [smem:$0x3FFB];
	_ =	sdelay $0x3  }
0x93: {  	_ =	strace s4  }
0x94: {  	s4 =	sld [smem:$0x3FFC];
	_ =	sdelay $0x3  }
0x95: {  	_ =	strace s4  }
0x96: {  	s4 =	sld [smem:$0x3FFD];
	_ =	sdelay $0x3  }
0x97: {  	_ =	strace s4  }
0x98: {  	_ =	strace $0x8FFFFFFF  }
0x99: {  	s19 =	sld [smem:$0x3FDB];
	_ =	sdelay $0x1  }
0x9a: {  	s5 =	simm.s32 $_scs_section_size  }
0x9b: {  	s6 =	simm.s32 $_size__tile_overlayer_lowered;
	s7 =	simm.s32 $_tile_overlayer_lowered  }
0x9c: {  	s22 =	simm.s32 $0x1BFF;
	s21 =	sshll.u32 s7, $0x1;
	s4 =	sadd.s32 s5, s19  }
0x9d: {  	s8 =	simm.s32 $0x0;
	s20 =	sshll.u32 s6, $0x1;
	s6 =	sadd.s32 s21, s4  }
0x9e: {  	[timem:s8], [sflag:s22] =	dma.local [hbm:s6], s20  }
0x9f: {  	_ =	swait.ge [sflag:s22], s20  }
0xa0: {  	s5 =	ssub.s32 $0x0, s20;
	[sflag:s22] =	ssyncset.done $0x0  }
0xa1: {  	[sflag:s22] =	ssyncadd.s32 s5;
	_ =	sdelay $0x1  }
0xa2: {  	s23 =	simm.s32 $0x1B8B  }
0xa3: {  	_ =	swait.ge [sflag:s23], $0x1  }
0xa4: {  	[sflag:s23] =	ssyncset.done $0x0  }
0xa5: {  	s25 =	simm.s32 $0x1B8E;
	s24 =	sld [smem:$0x3FFE];
	[sflag:s23] =	ssyncadd.s32 $0xFFFFFFFF  }
0xa6: {  	s26 =	simm.s32 $execute0_lowered;
	[smem:$0x3FD2] =	sst s25  }
0xa7: {  	s6 =	sshll.u32 s26, $0x1;
	_ =	strace $0x80000046;
	[dreg:$0x1] =	wrdreg $0xFFFFFFFF  }
0xa8: {  	s28 =	simm.s32 $_size_execute0_lowered;
	s4 =	sadd.s32 s4, s6;
	[dreg:$0x0] =	wrdreg $0x0  }
0xa9: {  	s6 =	sshll.u32 s28, $0x1;
	[dreg:$0x2] =	wrdreg s4  }
0xaa: {  	[dreg:$0x3] =	wrdreg s6  }
0xab: {  	[dreg:$0x4] =	wrdreg $0xC0  }
0xac: {  	_ =	task [dreg:s8], $0x5FFFF  }
0xad: {  	[dreg:$0x1] =	wrdreg $0xFFFFFFFF  }
0xae: {  	[dreg:$0x0] =	wrdreg $0x60  }
0xaf: {  	[dreg:$0x2] =	wrdreg s24  }
0xb0: {  	[dreg:$0x3] =	wrdreg s2  }
0xb1: {  	[dreg:$0x4] =	wrdreg s18  }
0xb2: {  	[dreg:$0x5] =	wrdreg $0xA  }
0xb3: {  	_ =	task.clear_ibuf [dreg:s8], $0x6FFFF;
	_ =	strace $0x90000046  }
0xb4: {  	s29 =	simm.s32 $0xA;
	_ =	strace $0x80000048  }
0xb5: {  	_ =	swait.ge [sflag:s29], $0x1  }
0xb6: {  	[sflag:s29] =	ssyncadd.s32 $0xFFFFFFFF  }
0xb7: {  	_ =	strace $0x90000048  }
0xb8: {  	_ =	sfence  }
0xb9: {  	s30 =	sld [smem:$0x0];
	_ =	sdelay $0x2  }
0xba: {  	s31 =	sshll.u32 s1, $0xD;
	s1 =	sshrl.u32 s1, $0x2  }
0xbb: {  	s3 =	sand.u32 $0x4000, s31;
	s1 =	sadd.s32 s1, s30  }
0xbc: {  	s0 =	sor.u32 s3, s0;
	s1 =	sshll.u32 s1, $0x11  }
0xbd: {  	s0 =	sor.u32 s1, s0  }
0xbe: {  	s0 =	sadd.s32 $0x8F2B, s0  }
0xbf: {  	[sflag:s0] =	ssyncadd.remote.s32 $0x1  }
0xc0: {  	_ =	sfence.sel $0xFFFF  }
0xc1: {  	[dreg:$0x0] =	wrdreg $0xFFFFFFFF;
	(pc) =	sbr.abs _section_cstart, $3  }
0xc2: {  	[dreg:$0x1] =	wrdreg $0xFFFFFFFF  }
0xc3: {  	_ =	task.clear_ibuf [dreg:s8], $0x2FFFF;
	_ =	strace $0x9FFFFFFF  }
0xc4: {  	(tm) =	ssettm $0x7FFFFFFF  }
0xc5: {  	_ =	shalt  }
tec
execute0_lowered:
.L_overlay_start_1:
0x0: {  	(tag) =	ssettag $0x1  }
0x1: {  	s0 =	rddreg [dreg:$0x0]  }
0x2: {  	s1 =	rddreg [dreg:$0x1]  }
0x3: {  	s4 =	rddreg [dreg:$0x2]  }
0x4: {  	s2 =	simm.s32 $0x0;
	s3 =	srdreg.scid;
	s9 =	stileid.u32  }
0x5: {  	s5 =	sand.u32 $0x1, s3;
	s6 =	sshll.u32 s9, $0xE;
	s9 =	sshll.u32 s9, $0x7  }
0x6: {  	s7 =	sshll.u32 s5, $0xD;
	s28 =	ssub.s32 $0x2, s5;
	s5 =	sshll.u32 s5, $0x6  }
0x7: {  	[smem:$0x7FF] =	sst s2;
	s3 =	sadd.s32 $0x3800, s0;
	s5 =	sor.u32 s5, s9  }
0x8: {  	_ =	strace $0x80000047;
	s6 =	sor.u32 s7, s6;
	s1 =	sadd.s32 s1, s5  }
0x9: {  	s0 =	sadd.s32 s6, s0;
	s30 =	sadd.s32 s4, s5;
	[dreg:$0x4] =	wrdreg s1  }
0xa: {  	s8 =	sshrl.u32 s28, $0x1;
	s29 =	sadd.s32 $0x18A200, s0;
	[dreg:$0x6] =	wrdreg s30  }
0xb: {  	s8 =	ssub.s32 s28, s8;
	s0 =	sadd.s32 $0x1CA200, s0;
	[dreg:$0x5] =	wrdreg s29  }
0xc: {  	s10 =	simm.s32 $0x1;
	s31 =	smax.u32 s8, $0x1;
	[dreg:$0x7] =	wrdreg s0  }
0xd: {  	s12 =	simm.s32 $0x0;
	s9 =	simm.s32 $0x2;
	[dreg:$0x8] =	wrdreg s31  }
.LBB2_1:
0xe: {  	s0 =	rddreg [dreg:$0x4];
	s26 =	simm.s32 $0x0  }
0xf: {  	[tilespmem:s2], [sflag:$0x2] =	stream.linear.gather [hbm4b:s0+s2], $0x200, $0x38;
	[tilespmem:$0x10200] =	vst v63  }
0x10: {  	s1 =	sand.u32 $0xFFFFFF80, s26  }
0x11: {  	s4 =	simm.s32 $0x0;
	s1 =	ssub.s32 $0x0, s1  }
0x12: {  	s0 =	sand.u32 $0x3FFFFF80, s26;
	_ =	swait.ge [sflag:s9], $0x200;
	s1 =	sand.u32 $0xFFFFFF80, s1  }
0x13: {  	s4 =	sand.u32 $0x70, s4;
	[sflag:s9] =	ssyncset.done $0x0;
	s0 =	sadd.s32 s1, s0  }
0x14: {  	[sflag:s9] =	ssyncadd.s32 $0xFFFFFE00;
	s0 =	sor.u32 s4, s0  }
0x15: {  	v0 =	vld [tilespmem:s0+$0x0];
	_ =	sdelay $0x4  }
0x16: {  	v0 =	vshll.u32 v0, $0x4  }
0x17: {  	(v2sf) =	vpush v0, $0x1;
	_ =	sdelay $0x1  }
0x18: {  	(v2sf) =	vpush v0, $0x0;
	_ =	sdelay $0x4  }
0x19: {  	(v2sf) =	vpush v0, $0x3;
	_ =	sdelay $0x1  }
0x1a: {  	(v2sf) =	vpush v0, $0x2;
	_ =	sdelay $0x1  }
0x1b: {  	s5 =	simm.s32 $0x10;
	s13 =	simm.s32 $0x2000;
	(v2sf) =	vpush v0, $0x4  }
0x1c: {  	s15 =	simm.s32 $0x4000;
	s16 =	simm.s32 $0x1;
	s17 =	simm.s32 $0x10  }
0x1d: {  	s18 =	simm.s32 $0xFFFFFE10;
	s7 =	simm.s32 $0x10;
	s14 =	simm.s32 $0x0;
	(v2sf) =	vpush v0, $0x5  }
0x1e: {  	s25 =	simm.s32 $0x580;
	s11 =	simm.s32 $0x200;
	s29 =	simm.s32 $0x480  }
0x1f: {  	s23 =	simm.s32 $0x700;
	s28 =	simm.s32 $0x500;
	s24 =	spop (v2sf);
	(v2sf) =	vpush v0, $0x6  }
0x20: {  	s21 =	simm.s32 $0x780;
	s19 =	simm.s32 $0x980;
	s6 =	sand.u32 $0xFFFFFF80, s5  }
0x21: {  	s22 =	simm.s32 $0x800;
	s1 =	ssub.s32 $0x10, s6;
	s30 =	spop (v2sf);
	(v2sf) =	vpush v0, $0x7  }
0x22: {  	s26 =	simm.s32 $0x600;
	s1 =	sand.u32 $0xFFFFFF80, s1;
	s0 =	sand.u32 $0x3FFFFF80, s5  }
0x23: {  	s4 =	sand.u32 $0x70, s7;
	s5 =	simm.s32 $0x280;
	s1 =	sadd.s32 s1, s0;
	(v2sf) =	vpush v0, $0x8  }
0x24: {  	s0 =	simm.s32 $0x400;
	s20 =	sor.u32 s4, s1;
	s1 =	simm.s32 $0x300  }
0x25: {  	s8 =	sand.u32 $0x1FFFFFF0, s30;
	s30 =	sand.u32 $0x1FFFFFF0, s24;
	s24 =	simm.s32 $0x880;
	(v2sf) =	vpush v0, $0x9  }
0x26: {  	s6 =	spop (v2sf);
	s4 =	sadd.s32 s3, s8;
	s7 =	sadd.s32 s3, s30  }
0x27: {  	[tilespmem:s11], [sflag:$0x1] =	stream.linear.gather [hbm4b:s4+s2], $0x80, $0x38;
	(v2sf) =	vpush v0, $0xA;
	[tilespmem:$0x10200] =	vst v63  }
0x28: {  	s30 =	simm.s32 $0x680;
	s8 =	spop (v2sf);
	s11 =	simm.s32 $0x380  }
0x29: {  	(v2sf) =	vpush v0, $0xB;
	[tilespmem:s5], [sflag:$0x1] =	stream.linear.gather [hbm4b:s7+s2], $0x80, $0x38;
	[tilespmem:$0x10200] =	vst v63  }
0x2a: {  	s4 =	sand.u32 $0x1FFFFFF0, s6;
	s31 =	spop (v2sf);
	s5 =	sand.u32 $0x1FFFFFF0, s8;
	(v2sf) =	vpush v0, $0xC  }
.LBB2_2:
0x2b: {  	s5 =	sadd.s32 s3, s5  }
0x2c: {  	s6 =	sand.u32 $0x1FFFFFF0, s31;
	s7 =	spop (v2sf);
	s31 =	smov.u32 s15  }
0x2d: {  	[tilespmem:s1], [sflag:$0x1] =	stream.linear.gather [hbm4b:s5+s2], $0x80, $0x38;
	(v2sf) =	vpush v0, $0xD;
	[tilespmem:$0x10200] =	vst v63  }
0x2e: {  	s1 =	sadd.s32 s3, s4;
	s4 =	sand.u32 $0x1FFFFFF0, s7;
	s5 =	spop (v2sf)  }
0x2f: {  	[tilespmem:s11], [sflag:$0x1] =	stream.linear.gather [hbm4b:s1+s2], $0x80, $0x38;
	(v2sf) =	vpush v0, $0xE;
	[tilespmem:$0x10200] =	vst v63  }
0x30: {  	s1 =	sadd.s32 s3, s6;
	s5 =	sand.u32 $0x1FFFFFF0, s5;
	s6 =	spop (v2sf)  }
0x31: {  	[tilespmem:s0], [sflag:$0x1] =	stream.linear.gather [hbm4b:s1+s2], $0x80, $0x38;
	(v2sf) =	vpush v0, $0xF;
	[tilespmem:$0x10200] =	vst v63  }
0x32: {  	s0 =	sadd.s32 s3, s4;
	s1 =	sand.u32 $0x1FFFFFF0, s6;
	s4 =	spop (v2sf)  }
0x33: {  	[tilespmem:s29], [sflag:$0x1] =	stream.linear.gather [hbm4b:s0+s2], $0x80, $0x38;
	[tilespmem:$0x10200] =	vst v63  }
0x34: {  	s0 =	sadd.s32 s3, s5;
	s4 =	sand.u32 $0x1FFFFFF0, s4;
	s5 =	spop (v2sf)  }
0x35: {  	[tilespmem:s28], [sflag:$0x1] =	stream.linear.gather [hbm4b:s0+s2], $0x80, $0x38;
	[tilespmem:$0x10200] =	vst v63  }
0x36: {  	s0 =	sadd.s32 s3, s1;
	s1 =	sand.u32 $0x1FFFFFF0, s5;
	s5 =	spop (v2sf)  }
0x37: {  	[tilespmem:s25], [sflag:$0x1] =	stream.linear.gather [hbm4b:s0+s2], $0x80, $0x38;
	[tilespmem:$0x10200] =	vst v63  }
0x38: {  	s0 =	sadd.s32 s3, s4;
	s4 =	sand.u32 $0x1FFFFFF0, s5;
	s5 =	spop (v2sf)  }
0x39: {  	[tilespmem:s26], [sflag:$0x1] =	stream.linear.gather [hbm4b:s0+s2], $0x80, $0x38;
	[tilespmem:$0x10200] =	vst v63  }
0x3a: {  	s0 =	sadd.s32 s3, s1;
	s1 =	sand.u32 $0x1FFFFFF0, s5;
	s5 =	spop (v2sf)  }
0x3b: {  	[tilespmem:s30], [sflag:$0x1] =	stream.linear.gather [hbm4b:s0+s2], $0x80, $0x38;
	[tilespmem:$0x10200] =	vst v63  }
0x3c: {  	s0 =	sadd.s32 s3, s4;
	s4 =	sand.u32 $0x1FFFFFF0, s5;
	s5 =	spop (v2sf)  }
0x3d: {  	[tilespmem:s23], [sflag:$0x1] =	stream.linear.gather [hbm4b:s0+s2], $0x80, $0x38;
	[tilespmem:$0x10200] =	vst v63  }
0x3e: {  	s0 =	sadd.s32 s3, s1;
	s1 =	sand.u32 $0x1FFFFFF0, s5;
	s5 =	spop (v2sf)  }
0x3f: {  	[tilespmem:s21], [sflag:$0x1] =	stream.linear.gather [hbm4b:s0+s2], $0x80, $0x38;
	[tilespmem:$0x10200] =	vst v63  }
0x40: {  	s0 =	sadd.s32 s3, s4;
	s4 =	sand.u32 $0x1FFFFFF0, s5;
	s5 =	spop (v2sf)  }
0x41: {  	[tilespmem:s22], [sflag:$0x1] =	stream.linear.gather [hbm4b:s0+s2], $0x80, $0x38;
	[tilespmem:$0x10200] =	vst v63  }
0x42: {  	p0 =	sne.s32 s15, $0x3E000;
	s0 =	sadd.s32 s3, s1;
	s1 =	sand.u32 $0x1FFFFFF0, s5  }
0x43: {  	[tilespmem:s24], [sflag:$0x1] =	stream.linear.gather [hbm4b:s0+s2], $0x80, $0x38;
	[tilespmem:$0x10200] =	vst v63  }
0x44: {  	s15 =	sadd.s32 $0x2000, s15;
	s4 =	sadd.s32 s3, s4;
	s0 =	sadd.s32 $0x900, s14  }
0x45: {  	[tilespmem:s0], [sflag:$0x1] =	stream.linear.gather [hbm4b:s4+s2], $0x80, $0x38;
	[tilespmem:$0x10200] =	vst v63  }
0x46: {  	s0 =	sadd.s32 s3, s1  }
0x47: {  	[tilespmem:s19], [sflag:$0x1] =	stream.linear.gather [hbm4b:s0+s2], $0x80, $0x38;
	[tilespmem:$0x10200] =	vst v63  }
0x48: {  	v0 =	vld [tilespmem:s20+$0x0];
	_ =	sdelay $0x4  }
0x49: {  	s16 =	sadd.s32 $0x1, s16;
	v0 =	vshll.u32 v0, $0x4  }
0x4a: {  	s0 =	sshll.u32 s16, $0x4;
	(v2sf) =	vpush v0, $0x1  }
0x4b: {  	s17 =	sadd.s32 $0x10, s17;
	s1 =	sand.u32 $0xFFFFFF80, s0;
	(v2sf) =	vpush v0, $0x0  }
0x4c: {  	s1 =	ssub.s32 s17, s1;
	(v2sf) =	vpush v0, $0x3  }
0x4d: {  	s0 =	sand.u32 $0x3FFFFF80, s0;
	s1 =	sand.u32 $0xFFFFFF80, s1;
	(v2sf) =	vpush v0, $0x2  }
0x4e: {  	s1 =	sadd.s32 s1, s0  }
0x4f: {  	(v2sf) =	vpush v0, $0x4;
	_ =	sdelay $0x1  }
0x50: {  	(v2sf) =	vpush v0, $0x5  }
0x51: {  	s18 =	sadd.s32 $0x10, s18  }
0x52: {  	s14 =	sshra.s32 s13, $0x2;
	s13 =	smov.u32 s31;
	s4 =	sadd.s32 $0x200, s18;
	(v2sf) =	vpush v0, $0x6  }
0x53: {  	s6 =	sadd.s32 $0x280, s14;
	s25 =	sadd.s32 $0x580, s14;
	s0 =	sadd.s32 $0x400, s14  }
0x54: {  	s5 =	sadd.s32 $0x200, s14;
	s29 =	sadd.s32 $0x480, s14;
	s23 =	sadd.s32 $0x700, s14;
	(v2sf) =	vpush v0, $0x7  }
0x55: {  	s28 =	sadd.s32 $0x500, s14;
	s21 =	sadd.s32 $0x780, s14;
	s19 =	sadd.s32 $0x980, s14  }
0x56: {  	s26 =	sadd.s32 $0x600, s14;
	s22 =	sadd.s32 $0x800, s14;
	s4 =	sand.u32 $0x70, s4;
	(v2sf) =	vpush v0, $0x8  }
0x57: {  	s24 =	sadd.s32 $0x880, s14;
	s20 =	sor.u32 s4, s1;
	s1 =	sadd.s32 $0x300, s14  }
0x58: {  	s30 =	sadd.s32 $0x680, s14;
	s4 =	spop (v2sf);
	(v2sf) =	vpush v0, $0x9  }
0x59: {  	s11 =	sadd.s32 $0x380, s14;
	s7 =	sand.u32 $0x1FFFFFF0, s4;
	s4 =	spop (v2sf)  }
.Ltmp0:
0x5a: {  	s4 =	sand.u32 $0x1FFFFFF0, s4;
	s31 =	spop (v2sf);
	(v2sf) =	vpush v0, $0xA;
	(pc) =	sbr.rel @p0 .LBB2_2-.Ltmp0, $4  }
0x5b: {  	s8 =	sadd.s32 s3, s4;
	s4 =	sand.u32 $0x1FFFFFF0, s31;
	s31 =	spop (v2sf)  }
0x5c: {  	[tilespmem:s5], [sflag:$0x1] =	stream.linear.gather [hbm4b:s8+s2], $0x80, $0x38;
	(v2sf) =	vpush v0, $0xB;
	[tilespmem:$0x10200] =	vst v63  }
0x5d: {  	s7 =	sadd.s32 s3, s7;
	s5 =	sand.u32 $0x1FFFFFF0, s31;
	s31 =	spop (v2sf)  }
0x5e: {  	[tilespmem:s6], [sflag:$0x1] =	stream.linear.gather [hbm4b:s7+s2], $0x80, $0x38;
	(v2sf) =	vpush v0, $0xC;
	[tilespmem:$0x10200] =	vst v63  }
0x5f: {  	s5 =	sadd.s32 s3, s5  }
0x60: {  	[tilespmem:s1], [sflag:$0x1] =	stream.linear.gather [hbm4b:s5+s2], $0x80, $0x38;
	[tilespmem:$0x10200] =	vst v63  }
0x61: {  	s15 =	sand.u32 $0x1FFFFFF0, s31;
	s16 =	spop (v2sf);
	s4 =	sadd.s32 s3, s4  }
0x62: {  	(v2sf) =	vpush v0, $0xD;
	[tilespmem:s11], [sflag:$0x1] =	stream.linear.gather [hbm4b:s4+s2], $0x80, $0x38;
	[tilespmem:$0x10200] =	vst v63  }
0x63: {  	s17 =	sand.u32 $0x1FFFFFF0, s16;
	s1 =	sadd.s32 s3, s15;
	s18 =	spop (v2sf)  }
0x64: {  	(v2sf) =	vpush v0, $0xE;
	[tilespmem:s0], [sflag:$0x1] =	stream.linear.gather [hbm4b:s1+s2], $0x80, $0x38;
	[tilespmem:$0x10200] =	vst v63  }
0x65: {  	s5 =	sand.u32 $0x1FFFFFF0, s18;
	s4 =	sadd.s32 s3, s17;
	s6 =	spop (v2sf)  }
0x66: {  	(v2sf) =	vpush v0, $0xF;
	[tilespmem:s29], [sflag:$0x1] =	stream.linear.gather [hbm4b:s4+s2], $0x80, $0x38;
	[tilespmem:$0x10200] =	vst v63  }
0x67: {  	s1 =	sand.u32 $0x1FFFFFF0, s6;
	s0 =	sadd.s32 s3, s5;
	s7 =	spop (v2sf)  }
0x68: {  	[tilespmem:s28], [sflag:$0x1] =	stream.linear.gather [hbm4b:s0+s2], $0x80, $0x38;
	[tilespmem:$0x10200] =	vst v63  }
0x69: {  	s1 =	sadd.s32 s3, s1;
	s8 =	sand.u32 $0x1FFFFFF0, s7;
	s11 =	spop (v2sf)  }
0x6a: {  	[tilespmem:s25], [sflag:$0x1] =	stream.linear.gather [hbm4b:s1+s2], $0x80, $0x38;
	[tilespmem:$0x10200] =	vst v63  }
0x6b: {  	s15 =	sand.u32 $0x1FFFFFF0, s11;
	s0 =	sadd.s32 s3, s8;
	s16 =	spop (v2sf)  }
0x6c: {  	[tilespmem:s26], [sflag:$0x1] =	stream.linear.gather [hbm4b:s0+s2], $0x80, $0x38;
	[tilespmem:$0x10200] =	vst v63  }
0x6d: {  	s17 =	sand.u32 $0x1FFFFFF0, s16;
	s1 =	sadd.s32 s3, s15;
	s18 =	spop (v2sf)  }
0x6e: {  	[tilespmem:s30], [sflag:$0x1] =	stream.linear.gather [hbm4b:s1+s2], $0x80, $0x38;
	[tilespmem:$0x10200] =	vst v63  }
0x6f: {  	s25 =	sand.u32 $0x1FFFFFF0, s18;
	s0 =	sadd.s32 s3, s17;
	s26 =	spop (v2sf)  }
0x70: {  	[tilespmem:s23], [sflag:$0x1] =	stream.linear.gather [hbm4b:s0+s2], $0x80, $0x38;
	[tilespmem:$0x10200] =	vst v63  }
0x71: {  	s5 =	sand.u32 $0x1FFFFFF0, s26;
	s6 =	spop (v2sf);
	s1 =	sadd.s32 s3, s25  }
0x72: {  	[tilespmem:s21], [sflag:$0x1] =	stream.linear.gather [hbm4b:s1+s2], $0x80, $0x38;
	[tilespmem:$0x10200] =	vst v63  }
0x73: {  	s7 =	sand.u32 $0x1FFFFFF0, s6;
	s8 =	spop (v2sf);
	s0 =	sadd.s32 s3, s5  }
0x74: {  	[tilespmem:s22], [sflag:$0x1] =	stream.linear.gather [hbm4b:s0+s2], $0x80, $0x38;
	[tilespmem:$0x10200] =	vst v63  }
0x75: {  	s11 =	sand.u32 $0x1FFFFFF0, s8;
	s15 =	spop (v2sf);
	s1 =	sadd.s32 s3, s7  }
0x76: {  	[tilespmem:s24], [sflag:$0x1] =	stream.linear.gather [hbm4b:s1+s2], $0x80, $0x38;
	[tilespmem:$0x10200] =	vst v63  }
0x77: {  	s17 =	sadd.s32 $0x900, s14;
	s16 =	sand.u32 $0x1FFFFFF0, s15;
	s0 =	sadd.s32 s3, s11  }
0x78: {  	[tilespmem:s17], [sflag:$0x1] =	stream.linear.gather [hbm4b:s0+s2], $0x80, $0x38;
	[tilespmem:$0x10200] =	vst v63  }
0x79: {  	s18 =	sadd.s32 s3, s16  }
0x7a: {  	[tilespmem:s19], [sflag:$0x1] =	stream.linear.gather [hbm4b:s18+s2], $0x80, $0x38;
	[tilespmem:$0x10200] =	vst v63  }
0x7b: {  	v0 =	vld [tilespmem:s20+$0x0];
	_ =	sdelay $0x4  }
0x7c: {  	v0 =	vshll.u32 v0, $0x4  }
0x7d: {  	(v2sf) =	vpush v0, $0x1  }
0x7e: {  	(v2sf) =	vpush v0, $0x0  }
0x7f: {  	(v2sf) =	vpush v0, $0x3  }
0x80: {  	(v2sf) =	vpush v0, $0x2;
	_ =	sdelay $0x3  }
0x81: {  	(v2sf) =	vpush v0, $0x4;
	_ =	sdelay $0x1  }
0x82: {  	(v2sf) =	vpush v0, $0x5;
	_ =	sdelay $0x1  }
0x83: {  	s0 =	sshra.s32 s13, $0x2;
	(v2sf) =	vpush v0, $0x6  }
0x84: {  	s21 =	sadd.s32 $0x280, s0;
	s4 =	sadd.s32 $0x400, s0  }
0x85: {  	s5 =	sadd.s32 $0x580, s0;
	s6 =	sadd.s32 $0x200, s0;
	s7 =	sadd.s32 $0x480, s0;
	(v2sf) =	vpush v0, $0x7  }
0x86: {  	s16 =	sadd.s32 $0x700, s0;
	s8 =	sadd.s32 $0x500, s0;
	s15 =	sadd.s32 $0x780, s0  }
0x87: {  	s11 =	sadd.s32 $0x600, s0;
	s13 =	sadd.s32 $0x800, s0;
	(v2sf) =	vpush v0, $0x8;
	s17 =	spop (v2sf)  }
0x88: {  	s14 =	sadd.s32 $0x880, s0;
	s24 =	sadd.s32 $0x380, s0;
	s25 =	spop (v2sf)  }
0x89: {  	s18 =	sadd.s32 $0x300, s0;
	(v2sf) =	vpush v0, $0x9;
	s19 =	sand.u32 $0x1FFFFFF0, s25;
	s26 =	spop (v2sf)  }
0x8a: {  	s17 =	sand.u32 $0x1FFFFFF0, s17;
	s19 =	sadd.s32 s3, s19;
	s23 =	spop (v2sf)  }
0x8b: {  	(v2sf) =	vpush v0, $0xA;
	[tilespmem:s6], [sflag:$0x1] =	stream.linear.gather [hbm4b:s19+s2], $0x80, $0x38;
	[tilespmem:$0x10200] =	vst v63  }
0x8c: {  	s20 =	sadd.s32 $0x680, s0;
	s17 =	sadd.s32 s3, s17;
	s25 =	sand.u32 $0x1FFFFFF0, s23  }
0x8d: {  	(v2sf) =	vpush v0, $0xB;
	[tilespmem:s21], [sflag:$0x1] =	stream.linear.gather [hbm4b:s17+s2], $0x80, $0x38;
	[tilespmem:$0x10200] =	vst v63  }
0x8e: {  	s26 =	sand.u32 $0x1FFFFFF0, s26;
	s19 =	sadd.s32 s3, s25;
	s21 =	spop (v2sf)  }
0x8f: {  	(v2sf) =	vpush v0, $0xC;
	[tilespmem:s18], [sflag:$0x1] =	stream.linear.gather [hbm4b:s19+s2], $0x80, $0x38;
	[tilespmem:$0x10200] =	vst v63  }
0x90: {  	s1 =	sadd.s32 s3, s26;
	s17 =	sand.u32 $0x1FFFFFF0, s21;
	s22 =	spop (v2sf)  }
0x91: {  	(v2sf) =	vpush v0, $0xD;
	[tilespmem:s24], [sflag:$0x1] =	stream.linear.gather [hbm4b:s1+s2], $0x80, $0x38;
	[tilespmem:$0x10200] =	vst v63  }
0x92: {  	s23 =	sand.u32 $0x1FFFFFF0, s22;
	s17 =	sadd.s32 s3, s17;
	s24 =	spop (v2sf)  }
0x93: {  	(v2sf) =	vpush v0, $0xE;
	[tilespmem:s4], [sflag:$0x1] =	stream.linear.gather [hbm4b:s17+s2], $0x80, $0x38;
	[tilespmem:$0x10200] =	vst v63  }
0x94: {  	s1 =	sadd.s32 s3, s23;
	s25 =	sand.u32 $0x1FFFFFF0, s24;
	s26 =	spop (v2sf)  }
0x95: {  	(v2sf) =	vpush v0, $0xF;
	[tilespmem:s7], [sflag:$0x1] =	stream.linear.gather [hbm4b:s1+s2], $0x80, $0x38;
	[tilespmem:$0x10200] =	vst v63  }
0x96: {  	s17 =	sand.u32 $0x1FFFFFF0, s26;
	s18 =	spop (v2sf);
	s4 =	sadd.s32 s3, s25  }
0x97: {  	[tilespmem:s8], [sflag:$0x1] =	stream.linear.gather [hbm4b:s4+s2], $0x80, $0x38;
	[tilespmem:$0x10200] =	vst v63  }
0x98: {  	s19 =	sand.u32 $0x1FFFFFF0, s18;
	s1 =	sadd.s32 s3, s17;
	s21 =	spop (v2sf)  }
0x99: {  	[tilespmem:s5], [sflag:$0x1] =	stream.linear.gather [hbm4b:s1+s2], $0x80, $0x38;
	[tilespmem:$0x10200] =	vst v63  }
0x9a: {  	s4 =	sadd.s32 s3, s19;
	s22 =	sand.u32 $0x1FFFFFF0, s21;
	s23 =	spop (v2sf)  }
0x9b: {  	[tilespmem:s11], [sflag:$0x1] =	stream.linear.gather [hbm4b:s4+s2], $0x80, $0x38;
	[tilespmem:$0x10200] =	vst v63  }
0x9c: {  	s24 =	sand.u32 $0x1FFFFFF0, s23;
	s25 =	spop (v2sf);
	s1 =	sadd.s32 s3, s22  }
0x9d: {  	[tilespmem:s20], [sflag:$0x1] =	stream.linear.gather [hbm4b:s1+s2], $0x80, $0x38;
	[tilespmem:$0x10200] =	vst v63  }
0x9e: {  	s26 =	sand.u32 $0x1FFFFFF0, s25;
	s4 =	sadd.s32 s3, s24;
	s6 =	spop (v2sf)  }
0x9f: {  	[tilespmem:s16], [sflag:$0x1] =	stream.linear.gather [hbm4b:s4+s2], $0x80, $0x38;
	[tilespmem:$0x10200] =	vst v63  }
0xa0: {  	s7 =	sand.u32 $0x1FFFFFF0, s6;
	s8 =	spop (v2sf);
	s1 =	sadd.s32 s3, s26  }
0xa1: {  	[tilespmem:s15], [sflag:$0x1] =	stream.linear.gather [hbm4b:s1+s2], $0x80, $0x38;
	[tilespmem:$0x10200] =	vst v63  }
0xa2: {  	s11 =	sand.u32 $0x1FFFFFF0, s8;
	s4 =	sadd.s32 s3, s7;
	s15 =	spop (v2sf)  }
0xa3: {  	[tilespmem:s13], [sflag:$0x1] =	stream.linear.gather [hbm4b:s4+s2], $0x80, $0x38;
	[tilespmem:$0x10200] =	vst v63  }
0xa4: {  	s1 =	sadd.s32 s3, s11;
	s16 =	sand.u32 $0x1FFFFFF0, s15;
	s17 =	spop (v2sf)  }
0xa5: {  	[tilespmem:s14], [sflag:$0x1] =	stream.linear.gather [hbm4b:s1+s2], $0x80, $0x38;
	[tilespmem:$0x10200] =	vst v63  }
0xa6: {  	s19 =	sadd.s32 $0x900, s0;
	s18 =	sand.u32 $0x1FFFFFF0, s17;
	s4 =	sadd.s32 s3, s16  }
0xa7: {  	[tilespmem:s19], [sflag:$0x1] =	stream.linear.gather [hbm4b:s4+s2], $0x80, $0x38;
	[tilespmem:$0x10200] =	vst v63  }
0xa8: {  	s0 =	sadd.s32 $0x980, s0;
	s1 =	sadd.s32 s3, s18  }
0xa9: {  	[tilespmem:s0], [sflag:$0x1] =	stream.linear.gather [hbm4b:s1+s2], $0x80, $0x38;
	[tilespmem:$0x10200] =	vst v63  }
0xaa: {  	_ =	swait.ge [sflag:s10], $0x10000  }
0xab: {  	s22 =	simm.s32 $0x200;
	[sflag:s10] =	ssyncset.done $0x0  }
0xac: {  	s20 =	simm.s32 $0x0;
	s21 =	rddreg [dreg:$0x5];
	[sflag:s10] =	ssyncadd.s32 $0xFFFF0000  }
0xad: {  	[hbm4b:s21+s20] =	stream.linear.scatter [tilespmem:s22], [sflag:$0x2], $0x10000, $0x38;
	[tilespmem:$0x10200] =	vst v63  }
0xae: {  	s24 =	simm.s32 $0x0;
	_ =	swait.ge [sflag:s9], $0x10000  }
0xaf: {  	s25 =	sand.u32 $0xFFFFFF80, s24;
	s26 =	simm.s32 $0x0;
	[sflag:s9] =	ssyncset.done $0x0  }
0xb0: {  	s1 =	ssub.s32 $0x0, s25;
	s23 =	rddreg [dreg:$0x6];
	[sflag:s9] =	ssyncadd.s32 $0xFFFF0000  }
0xb1: {  	[tilespmem:s20], [sflag:$0x2] =	stream.linear.gather [hbm4b:s23+s20], $0x200, $0x38;
	[tilespmem:$0x10200] =	vst v63  }
0xb2: {  	s0 =	sand.u32 $0x3FFFFF80, s24;
	s1 =	sand.u32 $0xFFFFFF80, s1;
	_ =	swait.ge [sflag:s9], $0x200  }
0xb3: {  	s5 =	sand.u32 $0x70, s26;
	s0 =	sadd.s32 s1, s0;
	[sflag:s9] =	ssyncset.done $0x0  }
0xb4: {  	s0 =	sor.u32 s5, s0;
	[sflag:s9] =	ssyncadd.s32 $0xFFFFFE00  }
0xb5: {  	v0 =	vld [tilespmem:s0+$0x0];
	_ =	sdelay $0x4  }
0xb6: {  	v0 =	vshll.u32 v0, $0x4  }
0xb7: {  	(v2sf) =	vpush v0, $0x1  }
0xb8: {  	(v2sf) =	vpush v0, $0x0;
	_ =	sdelay $0x3  }
0xb9: {  	(v2sf) =	vpush v0, $0x3  }
0xba: {  	(v2sf) =	vpush v0, $0x2;
	_ =	sdelay $0x1  }
0xbb: {  	s31 =	simm.s32 $0x400;
	s28 =	simm.s32 $0x500;
	(v2sf) =	vpush v0, $0x4  }
0xbc: {  	s30 =	simm.s32 $0x680;
	s6 =	simm.s32 $0x10;
	s8 =	simm.s32 $0x10  }
0xbd: {  	s26 =	simm.s32 $0x600;
	s7 =	sand.u32 $0xFFFFFF80, s6;
	s15 =	simm.s32 $0x0;
	(v2sf) =	vpush v0, $0x5  }
0xbe: {  	s13 =	simm.s32 $0x2000;
	s16 =	simm.s32 $0x1;
	s17 =	simm.s32 $0x10  }
0xbf: {  	s14 =	simm.s32 $0x4000;
	s18 =	simm.s32 $0xFFFFFE10;
	s19 =	simm.s32 $0x980;
	(v2sf) =	vpush v0, $0x6  }
0xc0: {  	s4 =	sand.u32 $0x70, s8;
	s25 =	simm.s32 $0x580;
	s1 =	ssub.s32 $0x10, s7  }
0xc1: {  	s1 =	sand.u32 $0xFFFFFF80, s1;
	s5 =	simm.s32 $0x280;
	s21 =	simm.s32 $0x780;
	(v2sf) =	vpush v0, $0x7  }
0xc2: {  	s22 =	simm.s32 $0x800;
	s23 =	simm.s32 $0x700;
	s7 =	spop (v2sf)  }
0xc3: {  	s0 =	sand.u32 $0x3FFFFF80, s6;
	s6 =	simm.s32 $0x200;
	(v2sf) =	vpush v0, $0x8;
	s11 =	spop (v2sf)  }
0xc4: {  	s1 =	sadd.s32 s1, s0;
	s0 =	simm.s32 $0x480;
	s24 =	sand.u32 $0x1FFFFFF0, s11  }
0xc5: {  	s20 =	sor.u32 s4, s1;
	s7 =	sand.u32 $0x1FFFFFF0, s7;
	(v2sf) =	vpush v0, $0x9;
	s4 =	sadd.s32 s3, s24  }
0xc6: {  	[tilespmem:s6], [sflag:$0x1] =	stream.linear.gather [hbm4b:s4+s2], $0x80, $0x38;
	[tilespmem:$0x10200] =	vst v63  }
0xc7: {  	s1 =	simm.s32 $0x300;
	s7 =	sadd.s32 s3, s7;
	s4 =	spop (v2sf);
	(v2sf) =	vpush v0, $0xA  }
0xc8: {  	s11 =	simm.s32 $0x380;
	s24 =	simm.s32 $0x880;
	s8 =	spop (v2sf)  }
0xc9: {  	(v2sf) =	vpush v0, $0xB;
	[tilespmem:s5], [sflag:$0x1] =	stream.linear.gather [hbm4b:s7+s2], $0x80, $0x38;
	[tilespmem:$0x10200] =	vst v63  }
0xca: {  	s4 =	sand.u32 $0x1FFFFFF0, s4;
	s5 =	sand.u32 $0x1FFFFFF0, s8;
	s29 =	spop (v2sf);
	(v2sf) =	vpush v0, $0xC  }
.LBB2_4:
0xcb: {  	s5 =	sadd.s32 s3, s5  }
0xcc: {  	s6 =	sand.u32 $0x1FFFFFF0, s29;
	s7 =	spop (v2sf);
	s29 =	smov.u32 s14  }
0xcd: {  	[tilespmem:s1], [sflag:$0x1] =	stream.linear.gather [hbm4b:s5+s2], $0x80, $0x38;
	(v2sf) =	vpush v0, $0xD;
	[tilespmem:$0x10200] =	vst v63  }
0xce: {  	s1 =	sadd.s32 s3, s4;
	s4 =	sand.u32 $0x1FFFFFF0, s7;
	s5 =	spop (v2sf)  }
0xcf: {  	[tilespmem:s11], [sflag:$0x1] =	stream.linear.gather [hbm4b:s1+s2], $0x80, $0x38;
	(v2sf) =	vpush v0, $0xE;
	[tilespmem:$0x10200] =	vst v63  }
0xd0: {  	s1 =	sadd.s32 s3, s6;
	s5 =	sand.u32 $0x1FFFFFF0, s5;
	s6 =	spop (v2sf)  }
0xd1: {  	[tilespmem:s31], [sflag:$0x1] =	stream.linear.gather [hbm4b:s1+s2], $0x80, $0x38;
	(v2sf) =	vpush v0, $0xF;
	[tilespmem:$0x10200] =	vst v63  }
0xd2: {  	s1 =	sadd.s32 s3, s4;
	s4 =	sand.u32 $0x1FFFFFF0, s6;
	s6 =	spop (v2sf)  }
0xd3: {  	[tilespmem:s0], [sflag:$0x1] =	stream.linear.gather [hbm4b:s1+s2], $0x80, $0x38;
	[tilespmem:$0x10200] =	vst v63  }
0xd4: {  	s0 =	sadd.s32 s3, s5;
	s1 =	sand.u32 $0x1FFFFFF0, s6;
	s5 =	spop (v2sf)  }
0xd5: {  	[tilespmem:s28], [sflag:$0x1] =	stream.linear.gather [hbm4b:s0+s2], $0x80, $0x38;
	[tilespmem:$0x10200] =	vst v63  }
0xd6: {  	s0 =	sadd.s32 s3, s4;
	s4 =	sand.u32 $0x1FFFFFF0, s5;
	s5 =	spop (v2sf)  }
0xd7: {  	[tilespmem:s25], [sflag:$0x1] =	stream.linear.gather [hbm4b:s0+s2], $0x80, $0x38;
	[tilespmem:$0x10200] =	vst v63  }
0xd8: {  	s0 =	sadd.s32 s3, s1;
	s1 =	sand.u32 $0x1FFFFFF0, s5;
	s5 =	spop (v2sf)  }
0xd9: {  	[tilespmem:s26], [sflag:$0x1] =	stream.linear.gather [hbm4b:s0+s2], $0x80, $0x38;
	[tilespmem:$0x10200] =	vst v63  }
0xda: {  	s0 =	sadd.s32 s3, s4;
	s4 =	sand.u32 $0x1FFFFFF0, s5;
	s5 =	spop (v2sf)  }
0xdb: {  	[tilespmem:s30], [sflag:$0x1] =	stream.linear.gather [hbm4b:s0+s2], $0x80, $0x38;
	[tilespmem:$0x10200] =	vst v63  }
0xdc: {  	s0 =	sadd.s32 s3, s1;
	s1 =	sand.u32 $0x1FFFFFF0, s5;
	s5 =	spop (v2sf)  }
0xdd: {  	[tilespmem:s23], [sflag:$0x1] =	stream.linear.gather [hbm4b:s0+s2], $0x80, $0x38;
	[tilespmem:$0x10200] =	vst v63  }
0xde: {  	s0 =	sadd.s32 s3, s4;
	s4 =	sand.u32 $0x1FFFFFF0, s5;
	s5 =	spop (v2sf)  }
0xdf: {  	[tilespmem:s21], [sflag:$0x1] =	stream.linear.gather [hbm4b:s0+s2], $0x80, $0x38;
	[tilespmem:$0x10200] =	vst v63  }
0xe0: {  	s0 =	sadd.s32 s3, s1;
	s1 =	sand.u32 $0x1FFFFFF0, s5;
	s5 =	spop (v2sf)  }
0xe1: {  	[tilespmem:s22], [sflag:$0x1] =	stream.linear.gather [hbm4b:s0+s2], $0x80, $0x38;
	[tilespmem:$0x10200] =	vst v63  }
0xe2: {  	p0 =	sne.s32 s14, $0x3E000;
	s0 =	sadd.s32 s3, s4;
	s4 =	sand.u32 $0x1FFFFFF0, s5  }
0xe3: {  	[tilespmem:s24], [sflag:$0x1] =	stream.linear.gather [hbm4b:s0+s2], $0x80, $0x38;
	[tilespmem:$0x10200] =	vst v63  }
0xe4: {  	s14 =	sadd.s32 $0x2000, s14;
	s1 =	sadd.s32 s3, s1;
	s0 =	sadd.s32 $0x900, s15  }
0xe5: {  	[tilespmem:s0], [sflag:$0x1] =	stream.linear.gather [hbm4b:s1+s2], $0x80, $0x38;
	[tilespmem:$0x10200] =	vst v63  }
0xe6: {  	s0 =	sadd.s32 s3, s4  }
0xe7: {  	[tilespmem:s19], [sflag:$0x1] =	stream.linear.gather [hbm4b:s0+s2], $0x80, $0x38;
	[tilespmem:$0x10200] =	vst v63  }
0xe8: {  	v0 =	vld [tilespmem:s20+$0x0];
	_ =	sdelay $0x4  }
0xe9: {  	s16 =	sadd.s32 $0x1, s16;
	v0 =	vshll.u32 v0, $0x4  }
0xea: {  	s0 =	sshll.u32 s16, $0x4;
	(v2sf) =	vpush v0, $0x1  }
0xeb: {  	s17 =	sadd.s32 $0x10, s17;
	s1 =	sand.u32 $0xFFFFFF80, s0;
	(v2sf) =	vpush v0, $0x0  }
0xec: {  	s1 =	ssub.s32 s17, s1;
	(v2sf) =	vpush v0, $0x3  }
0xed: {  	s0 =	sand.u32 $0x3FFFFF80, s0;
	s1 =	sand.u32 $0xFFFFFF80, s1;
	(v2sf) =	vpush v0, $0x2  }
0xee: {  	s1 =	sadd.s32 s1, s0  }
0xef: {  	(v2sf) =	vpush v0, $0x4;
	_ =	sdelay $0x1  }
0xf0: {  	(v2sf) =	vpush v0, $0x5  }
0xf1: {  	s18 =	sadd.s32 $0x10, s18  }
0xf2: {  	s15 =	sshra.s32 s13, $0x2;
	s13 =	smov.u32 s29;
	s4 =	sadd.s32 $0x200, s18;
	(v2sf) =	vpush v0, $0x6  }
0xf3: {  	s6 =	sadd.s32 $0x280, s15;
	s31 =	sadd.s32 $0x400, s15;
	s25 =	sadd.s32 $0x580, s15  }
0xf4: {  	s5 =	sadd.s32 $0x200, s15;
	s23 =	sadd.s32 $0x700, s15;
	s0 =	sadd.s32 $0x480, s15;
	(v2sf) =	vpush v0, $0x7  }
0xf5: {  	s28 =	sadd.s32 $0x500, s15;
	s21 =	sadd.s32 $0x780, s15;
	s19 =	sadd.s32 $0x980, s15  }
0xf6: {  	s26 =	sadd.s32 $0x600, s15;
	s22 =	sadd.s32 $0x800, s15;
	s4 =	sand.u32 $0x70, s4;
	(v2sf) =	vpush v0, $0x8  }
0xf7: {  	s24 =	sadd.s32 $0x880, s15;
	s20 =	sor.u32 s4, s1;
	s1 =	sadd.s32 $0x300, s15  }
0xf8: {  	s30 =	sadd.s32 $0x680, s15;
	s4 =	spop (v2sf);
	(v2sf) =	vpush v0, $0x9  }
0xf9: {  	s11 =	sadd.s32 $0x380, s15;
	s7 =	sand.u32 $0x1FFFFFF0, s4;
	s4 =	spop (v2sf)  }
.Ltmp1:
0xfa: {  	s4 =	sand.u32 $0x1FFFFFF0, s4;
	s8 =	spop (v2sf);
	(v2sf) =	vpush v0, $0xA;
	(pc) =	sbr.rel @p0 .LBB2_4-.Ltmp1, $4  }
0xfb: {  	s29 =	sadd.s32 s3, s4;
	s4 =	sand.u32 $0x1FFFFFF0, s8;
	s8 =	spop (v2sf)  }
0xfc: {  	[tilespmem:s5], [sflag:$0x1] =	stream.linear.gather [hbm4b:s29+s2], $0x80, $0x38;
	(v2sf) =	vpush v0, $0xB;
	[tilespmem:$0x10200] =	vst v63  }
0xfd: {  	s7 =	sadd.s32 s3, s7;
	s5 =	sand.u32 $0x1FFFFFF0, s8;
	s29 =	spop (v2sf)  }
0xfe: {  	[tilespmem:s6], [sflag:$0x1] =	stream.linear.gather [hbm4b:s7+s2], $0x80, $0x38;
	(v2sf) =	vpush v0, $0xC;
	[tilespmem:$0x10200] =	vst v63  }
0xff: {  	s5 =	sadd.s32 s3, s5  }
0x100: {  	[tilespmem:s1], [sflag:$0x1] =	stream.linear.gather [hbm4b:s5+s2], $0x80, $0x38;
	[tilespmem:$0x10200] =	vst v63  }
0x101: {  	s18 =	sadd.s32 s3, s4;
	s29 =	sand.u32 $0x1FFFFFF0, s29  }
0x102: {  	[tilespmem:s11], [sflag:$0x1] =	stream.linear.gather [hbm4b:s18+s2], $0x80, $0x38;
	[tilespmem:$0x10200] =	vst v63  }
0x103: {  	s1 =	sadd.s32 s3, s29  }
0x104: {  	[tilespmem:s31], [sflag:$0x1] =	stream.linear.gather [hbm4b:s1+s2], $0x80, $0x38;
	[tilespmem:$0x10200] =	vst v63  }
0x105: {  	s31 =	spop (v2sf)  }
0x106: {  	s1 =	sand.u32 $0x1FFFFFF0, s31  }
0x107: {  	s1 =	sadd.s32 s3, s1  }
0x108: {  	[tilespmem:s0], [sflag:$0x1] =	stream.linear.gather [hbm4b:s1+s2], $0x80, $0x38;
	[tilespmem:$0x10200] =	vst v63  }
0x109: {  	s1 =	spop (v2sf)  }
0x10a: {  	s0 =	sand.u32 $0x1FFFFFF0, s1  }
0x10b: {  	s4 =	spop (v2sf);
	s0 =	sadd.s32 s3, s0  }
0x10c: {  	[tilespmem:s28], [sflag:$0x1] =	stream.linear.gather [hbm4b:s0+s2], $0x80, $0x38;
	[tilespmem:$0x10200] =	vst v63  }
0x10d: {  	s0 =	sand.u32 $0x1FFFFFF0, s4  }
0x10e: {  	s5 =	spop (v2sf);
	s0 =	sadd.s32 s3, s0  }
0x10f: {  	[tilespmem:s25], [sflag:$0x1] =	stream.linear.gather [hbm4b:s0+s2], $0x80, $0x38;
	[tilespmem:$0x10200] =	vst v63  }
0x110: {  	(v2sf) =	vpush v0, $0xD;
	s0 =	sand.u32 $0x1FFFFFF0, s5  }
0x111: {  	s6 =	spop (v2sf);
	s0 =	sadd.s32 s3, s0  }
0x112: {  	(v2sf) =	vpush v0, $0xE;
	[tilespmem:s26], [sflag:$0x1] =	stream.linear.gather [hbm4b:s0+s2], $0x80, $0x38;
	[tilespmem:$0x10200] =	vst v63  }
0x113: {  	s0 =	sand.u32 $0x1FFFFFF0, s6  }
0x114: {  	s7 =	spop (v2sf);
	s0 =	sadd.s32 s3, s0  }
0x115: {  	(v2sf) =	vpush v0, $0xF;
	[tilespmem:s30], [sflag:$0x1] =	stream.linear.gather [hbm4b:s0+s2], $0x80, $0x38;
	[tilespmem:$0x10200] =	vst v63  }
0x116: {  	s0 =	sand.u32 $0x1FFFFFF0, s7  }
0x117: {  	s8 =	spop (v2sf);
	s0 =	sadd.s32 s3, s0  }
0x118: {  	[tilespmem:s23], [sflag:$0x1] =	stream.linear.gather [hbm4b:s0+s2], $0x80, $0x38;
	[tilespmem:$0x10200] =	vst v63  }
0x119: {  	s0 =	sand.u32 $0x1FFFFFF0, s8  }
0x11a: {  	s11 =	spop (v2sf);
	s0 =	sadd.s32 s3, s0  }
0x11b: {  	[tilespmem:s21], [sflag:$0x1] =	stream.linear.gather [hbm4b:s0+s2], $0x80, $0x38;
	[tilespmem:$0x10200] =	vst v63  }
0x11c: {  	s0 =	sand.u32 $0x1FFFFFF0, s11  }
0x11d: {  	s0 =	sadd.s32 s3, s0  }
0x11e: {  	[tilespmem:s22], [sflag:$0x1] =	stream.linear.gather [hbm4b:s0+s2], $0x80, $0x38;
	[tilespmem:$0x10200] =	vst v63  }
0x11f: {  	s14 =	spop (v2sf)  }
0x120: {  	s0 =	sand.u32 $0x1FFFFFF0, s14  }
0x121: {  	s16 =	spop (v2sf);
	s0 =	sadd.s32 s3, s0  }
0x122: {  	[tilespmem:s24], [sflag:$0x1] =	stream.linear.gather [hbm4b:s0+s2], $0x80, $0x38;
	[tilespmem:$0x10200] =	vst v63  }
0x123: {  	s0 =	sand.u32 $0x1FFFFFF0, s16  }
0x124: {  	s17 =	sadd.s32 $0x900, s15;
	s18 =	spop (v2sf);
	s0 =	sadd.s32 s3, s0  }
0x125: {  	[tilespmem:s17], [sflag:$0x1] =	stream.linear.gather [hbm4b:s0+s2], $0x80, $0x38;
	[tilespmem:$0x10200] =	vst v63  }
0x126: {  	s0 =	sand.u32 $0x1FFFFFF0, s18  }
0x127: {  	s0 =	sadd.s32 s3, s0  }
0x128: {  	[tilespmem:s19], [sflag:$0x1] =	stream.linear.gather [hbm4b:s0+s2], $0x80, $0x38;
	[tilespmem:$0x10200] =	vst v63  }
0x129: {  	v63 =	vld [tilespmem:s20+$0x0];
	_ =	sdelay $0x4  }
0x12a: {  	v0 =	vshll.u32 v63, $0x4  }
0x12b: {  	(v2sf) =	vpush v0, $0x1;
	_ =	sdelay $0x1  }
0x12c: {  	(v2sf) =	vpush v0, $0x0;
	_ =	sdelay $0x1  }
0x12d: {  	(v2sf) =	vpush v0, $0x3;
	_ =	sdelay $0x3  }
0x12e: {  	(v2sf) =	vpush v0, $0x2;
	_ =	sdelay $0x4  }
0x12f: {  	(v2sf) =	vpush v0, $0x4;
	_ =	sdelay $0x1  }
0x130: {  	s20 =	spop (v2sf);
	(v2sf) =	vpush v0, $0x5;
	_ =	sdelay $0x1  }
0x131: {  	s21 =	spop (v2sf);
	(v2sf) =	vpush v0, $0x6;
	_ =	sdelay $0x1  }
0x132: {  	s24 =	spop (v2sf);
	(v2sf) =	vpush v0, $0x7  }
0x133: {  	s0 =	sshra.s32 s13, $0x2;
	s4 =	sand.u32 $0x1FFFFFF0, s21  }
0x134: {  	s22 =	sadd.s32 $0x200, s0;
	s1 =	sand.u32 $0x1FFFFFF0, s20;
	s4 =	sadd.s32 s3, s4  }
0x135: {  	[tilespmem:s22], [sflag:$0x1] =	stream.linear.gather [hbm4b:s4+s2], $0x80, $0x38;
	[tilespmem:$0x10200] =	vst v63  }
0x136: {  	s23 =	sadd.s32 $0x280, s0;
	s1 =	sadd.s32 s3, s1;
	s25 =	spop (v2sf)  }
0x137: {  	(v2sf) =	vpush v0, $0x8;
	[tilespmem:s23], [sflag:$0x1] =	stream.linear.gather [hbm4b:s1+s2], $0x80, $0x38;
	[tilespmem:$0x10200] =	vst v63  }
0x138: {  	s1 =	sand.u32 $0x1FFFFFF0, s25  }
0x139: {  	s26 =	sadd.s32 $0x300, s0;
	s28 =	sand.u32 $0x1FFFFFF0, s24;
	s1 =	sadd.s32 s3, s1  }
0x13a: {  	[tilespmem:s26], [sflag:$0x1] =	stream.linear.gather [hbm4b:s1+s2], $0x80, $0x38;
	[tilespmem:$0x10200] =	vst v63  }
0x13b: {  	s29 =	sadd.s32 $0x380, s0;
	s30 =	spop (v2sf);
	s1 =	sadd.s32 s3, s28  }
0x13c: {  	[tilespmem:s29], [sflag:$0x1] =	stream.linear.gather [hbm4b:s1+s2], $0x80, $0x38;
	[tilespmem:$0x10200] =	vst v63  }
0x13d: {  	s4 =	spop (v2sf);
	(v2sf) =	vpush v0, $0x9  }
0x13e: {  	s1 =	sand.u32 $0x1FFFFFF0, s30  }
0x13f: {  	s31 =	sadd.s32 $0x400, s0;
	s1 =	sadd.s32 s3, s1;
	s6 =	spop (v2sf);
	(v2sf) =	vpush v0, $0xA  }
0x140: {  	[tilespmem:s31], [sflag:$0x1] =	stream.linear.gather [hbm4b:s1+s2], $0x80, $0x38;
	[tilespmem:$0x10200] =	vst v63  }
0x141: {  	s8 =	spop (v2sf);
	(v2sf) =	vpush v0, $0xB  }
0x142: {  	s1 =	sand.u32 $0x1FFFFFF0, s4  }
0x143: {  	s5 =	sadd.s32 $0x480, s0;
	s1 =	sadd.s32 s3, s1  }
0x144: {  	[tilespmem:s5], [sflag:$0x1] =	stream.linear.gather [hbm4b:s1+s2], $0x80, $0x38;
	[tilespmem:$0x10200] =	vst v63  }
0x145: {  	s1 =	sand.u32 $0x1FFFFFF0, s6  }
0x146: {  	s7 =	sadd.s32 $0x500, s0;
	s13 =	spop (v2sf);
	s1 =	sadd.s32 s3, s1  }
0x147: {  	(v2sf) =	vpush v0, $0xC;
	[tilespmem:s7], [sflag:$0x1] =	stream.linear.gather [hbm4b:s1+s2], $0x80, $0x38;
	[tilespmem:$0x10200] =	vst v63  }
0x148: {  	s1 =	sand.u32 $0x1FFFFFF0, s8  }
0x149: {  	s11 =	sadd.s32 $0x580, s0;
	s1 =	sadd.s32 s3, s1  }
0x14a: {  	[tilespmem:s11], [sflag:$0x1] =	stream.linear.gather [hbm4b:s1+s2], $0x80, $0x38;
	[tilespmem:$0x10200] =	vst v63  }
0x14b: {  	s1 =	sand.u32 $0x1FFFFFF0, s13  }
0x14c: {  	s14 =	sadd.s32 $0x600, s0;
	s1 =	sadd.s32 s3, s1;
	s15 =	spop (v2sf);
	(v2sf) =	vpush v0, $0xD  }
0x14d: {  	[tilespmem:s14], [sflag:$0x1] =	stream.linear.gather [hbm4b:s1+s2], $0x80, $0x38;
	[tilespmem:$0x10200] =	vst v63  }
0x14e: {  	s17 =	spop (v2sf);
	(v2sf) =	vpush v0, $0xE  }
0x14f: {  	s1 =	sand.u32 $0x1FFFFFF0, s15  }
0x150: {  	s16 =	sadd.s32 $0x680, s0;
	s1 =	sadd.s32 s3, s1;
	s19 =	spop (v2sf)  }
0x151: {  	(v2sf) =	vpush v0, $0xF;
	[tilespmem:s16], [sflag:$0x1] =	stream.linear.gather [hbm4b:s1+s2], $0x80, $0x38;
	[tilespmem:$0x10200] =	vst v63  }
0x152: {  	s1 =	sand.u32 $0x1FFFFFF0, s17  }
0x153: {  	s18 =	sadd.s32 $0x700, s0;
	s1 =	sadd.s32 s3, s1  }
0x154: {  	[tilespmem:s18], [sflag:$0x1] =	stream.linear.gather [hbm4b:s1+s2], $0x80, $0x38;
	[tilespmem:$0x10200] =	vst v63  }
0x155: {  	s1 =	sand.u32 $0x1FFFFFF0, s19  }
0x156: {  	s20 =	sadd.s32 $0x780, s0;
	s21 =	spop (v2sf);
	s1 =	sadd.s32 s3, s1  }
0x157: {  	[tilespmem:s20], [sflag:$0x1] =	stream.linear.gather [hbm4b:s1+s2], $0x80, $0x38;
	[tilespmem:$0x10200] =	vst v63  }
0x158: {  	s1 =	sand.u32 $0x1FFFFFF0, s21  }
0x159: {  	s22 =	sadd.s32 $0x800, s0;
	s1 =	sadd.s32 s3, s1  }
0x15a: {  	[tilespmem:s22], [sflag:$0x1] =	stream.linear.gather [hbm4b:s1+s2], $0x80, $0x38;
	[tilespmem:$0x10200] =	vst v63  }
0x15b: {  	s23 =	spop (v2sf)  }
0x15c: {  	s1 =	sand.u32 $0x1FFFFFF0, s23  }
0x15d: {  	s24 =	sadd.s32 $0x880, s0;
	s25 =	spop (v2sf);
	s1 =	sadd.s32 s3, s1  }
0x15e: {  	[tilespmem:s24], [sflag:$0x1] =	stream.linear.gather [hbm4b:s1+s2], $0x80, $0x38;
	[tilespmem:$0x10200] =	vst v63  }
0x15f: {  	s1 =	sand.u32 $0x1FFFFFF0, s25  }
0x160: {  	s26 =	sadd.s32 $0x900, s0;
	s28 =	spop (v2sf);
	s1 =	sadd.s32 s3, s1  }
0x161: {  	[tilespmem:s26], [sflag:$0x1] =	stream.linear.gather [hbm4b:s1+s2], $0x80, $0x38;
	[tilespmem:$0x10200] =	vst v63  }
0x162: {  	s1 =	sand.u32 $0x1FFFFFF0, s28  }
0x163: {  	s0 =	sadd.s32 $0x980, s0;
	s1 =	sadd.s32 s3, s1  }
0x164: {  	[tilespmem:s0], [sflag:$0x1] =	stream.linear.gather [hbm4b:s1+s2], $0x80, $0x38;
	[tilespmem:$0x10200] =	vst v63  }
0x165: {  	_ =	swait.ge [sflag:s10], $0x10000  }
0x166: {  	[sflag:s10] =	ssyncset.done $0x0  }
0x167: {  	s30 =	simm.s32 $0x200;
	s29 =	rddreg [dreg:$0x7];
	[sflag:s10] =	ssyncadd.s32 $0xFFFF0000  }
0x168: {  	[hbm4b:s29+s2] =	stream.linear.scatter [tilespmem:s30], [sflag:$0x2], $0x10000, $0x38;
	[tilespmem:$0x10200] =	vst v63  }
0x169: {  	_ =	swait.ge [sflag:s9], $0x10000  }
0x16a: {  	s12 =	sadd.s32 $0x1, s12;
	s31 =	rddreg [dreg:$0x8]  }
0x16b: {  	p0 =	sne.s32 s12, s31  }
.Ltmp2:
0x16c: {  	_ = 	snop;
	(pc) =	sbr.rel @p0 .LBB2_1-.Ltmp2, $3  }
0x16d: {  	_ =	sdelay $0x1  }
0x16e: {  	[sflag:s9] =	ssyncset.done $0x0  }
0x16f: {  	[sflag:s9] =	ssyncadd.s32 $0xFFFF0000  }
0x170: {  	_ =	sfence.sel $0x180000  }
0x171: {  	[bflag:$0x0] =	sbarrier.arrive $0xFFFF  }
0x172: {  	_ =	strace $0x90000047  }
0x173: {  	s0 =	stileid.u32;
	[bflag:$0x2] =	sbarrier.arrive $0xFFFF  }
0x174: {  	p0 =	sne.s32 s0, $0x0;
	s0 =	rddreg [dreg:$0x3]  }
0x175: {  	s0 =	sadd.s32 @!p0 $0x100000, s0  }
0x176: {  	[sflag:s0] =	ssyncadd.tile.s32 @!p0 $0x1;
	_ =	shalt  }
.Lfunc_end2:
_tile_overlayer_lowered:
.L_overlay_start_2:
0x177: {  	(tag) =	ssettag $0x2  }
0x178: {  	s0 =	rddreg [dreg:$0x0];
	s2 =	stileid.u32  }
0x179: {  	s1 =	rddreg [dreg:$0x1];
	p0 =	sne.s32 s2, $0x0  }
0x17a: {  	s3 =	rddreg [dreg:$0x2];
	[bflag:$0x3] =	sbarrier.arrive $0xFFFF;
	s2 =	simm.s32 @!p0 $0x1C02  }
0x17b: {  	[timem:s3], [sflag:s2] =	dma.local @!p0 [hbm:s0], s1  }
0x17c: {  	s0 =	simm.s32 @!p0 $0x2  }
0x17d: {  	_ =	swait.ge @!p0 [sflag:s0], s1  }
0x17e: {  	s1 =	ssub.s32 @!p0 $0x0, s1;
	[sflag:s0] =	ssyncset.done @!p0 $0x0  }
0x17f: {  	[sflag:s0] =	ssyncadd.s32 @!p0 s1  }
0x180: {  	[bflag:$0x3] =	sbarrier.arrive $0xFFFF  }
0x181: {  	_ =	shalt  }

</sc_bundles>
